<compile_context>
chip_gen: v7x
topology: tpu7x:2x2x1
jax: 0.10.2.dev20260603
libtpu: 0.0.44.dev20260713+nightly
codegen_flags: <defaults>
</compile_context>

<pallas_src>
import jax
import jax.numpy as jnp
from jax import lax
from jax.experimental import pallas as pl
from jax.experimental.pallas import tpu as pltpu
from jax.experimental.pallas import tpu_sc as plsc

RES_ = 128
C_ = 8
NVOX = RES_ ** 3
HALF = NVOX // 2
GARB = 1024
NT = 16
PPT = 6272
NPAD = PPT * NT
QUARTER = HALF // 2
QSLICE = QUARTER // NT
CHUNKS = PPT // 16


ZCHUNK = 16384


def _sc_scatter(cT, ftT, sums_out, counts_out,
                cbuf, idx0, idx1, va, vb, shared_a, shared_b,
                sem_a, sem_b, sem_v):
    c = lax.axis_index("c")
    s = lax.axis_index("s")
    base = s * PPT

    stages = [
        pltpu.async_copy(cT.at[pl.ds(base, PPT)],
                         cbuf.at[pl.ds(0, PPT)], sem_v),
        pltpu.async_copy(cT.at[pl.ds(NPAD + base, PPT)],
                         cbuf.at[pl.ds(PPT, PPT)], sem_v),
        pltpu.async_copy(cT.at[pl.ds(2 * NPAD + base, PPT)],
                         cbuf.at[pl.ds(2 * PPT, PPT)], sem_v),
    ]

    def zero_body(k, carry):
        cbuf[pl.ds(3 * PPT + k * 16, 16)] = jnp.zeros((16,), jnp.float32)
        return carry

    lax.fori_loop(0, ZCHUNK // 16, zero_body, 0)

    zcopies = []
    for sh in (shared_a, shared_b):
        for q in range(QSLICE // ZCHUNK):
            zcopies.append(pltpu.async_copy(
                cbuf.at[pl.ds(3 * PPT, ZCHUNK)],
                sh.at[pl.ds(s * QSLICE + q * ZCHUNK, ZCHUNK)], sem_a))
    for st in stages:
        st.wait()

    lane = lax.iota(jnp.int32, 16)
    half_lo = c * HALF

    def idx_body(j, carry):
        for u in range(2):
            k = j * 2 + u
            x = cbuf[pl.ds(k * 16, 16)]
            y = cbuf[pl.ds(PPT + k * 16, 16)]
            z = cbuf[pl.ds(2 * PPT + k * 16, 16)]
            ix = jnp.clip((x * 128.0).astype(jnp.int32), 0, 127)
            iy = jnp.clip((y * 128.0).astype(jnp.int32), 0, 127)
            iz = jnp.clip((z * 128.0).astype(jnp.int32), 0, 127)
            flat = (ix * 128 + iy) * 128 + iz
            loc0 = flat - half_lo
            loc1 = loc0 - QUARTER
            garb = QUARTER + (k & 63) * 16 + lane
            v0 = (loc0 >= 0) & (loc0 < QUARTER) & (x >= 0.0)
            v1 = (loc1 >= 0) & (loc1 < QUARTER) & (x >= 0.0)
            idx0[pl.ds(k * 16, 16)] = jnp.where(v0, loc0, garb)
            idx1[pl.ds(k * 16, 16)] = jnp.where(v1, loc1, garb)
        return carry

    lax.fori_loop(0, CHUNKS // 2, idx_body, 0)

    for zc in zcopies:
        zc.wait()
    plsc.subcore_barrier()

    bufs = ((shared_a, idx0, sem_a, 0), (shared_b, idx1, sem_b, QUARTER))
    vbufs = (va, vb)
    dumps = [None, None]
    vdma = pltpu.async_copy(ftT.at[pl.ds(base, PPT)], va, sem_v)
    for r in range(9):
        vdma.wait()
        if r < 8:
            vdma = pltpu.async_copy(
                ftT.at[pl.ds((r + 1) * NPAD + base, PPT)], vbufs[(r + 1) % 2],
                sem_v)
        vcur = vbufs[r % 2]
        for q, (sh, idxq, sem, qoff) in enumerate(bufs):
            if dumps[q] is not None:
                dumps[q].wait()
                plsc.subcore_barrier()
            pltpu.sync_copy(vcur, sh.at[idxq], add=True)
            plsc.subcore_barrier()
            off = half_lo + qoff + s * QSLICE
            src = sh.at[pl.ds(s * QSLICE, QSLICE)]
            if r == 0:
                dumps[q] = pltpu.async_copy(
                    src, counts_out.at[pl.ds(off, QSLICE)], sem)
            else:
                dumps[q] = pltpu.async_copy(
                    src, sums_out.at[pl.ds((r - 1) * NVOX + off, QSLICE)], sem)
    dumps[0].wait()
    dumps[1].wait()


def _voxel_scatter(cT, ftT):
    kern = pl.kernel(
        _sc_scatter,
        out_type=[
            jax.ShapeDtypeStruct((C_ * NVOX,), jnp.float32),
            jax.ShapeDtypeStruct((NVOX,), jnp.float32),
        ],
        mesh=plsc.VectorSubcoreMesh(core_axis_name="c", subcore_axis_name="s"),
        scratch_types=[
            pltpu.VMEM((3 * PPT + ZCHUNK,), jnp.float32),
            pltpu.VMEM((PPT,), jnp.int32),
            pltpu.VMEM((PPT,), jnp.int32),
            pltpu.VMEM((PPT,), jnp.float32),
            pltpu.VMEM((PPT,), jnp.float32),
            pltpu.VMEM_SHARED((QUARTER + GARB,), jnp.float32),
            pltpu.VMEM_SHARED((QUARTER + GARB,), jnp.float32),
            pltpu.SemaphoreType.DMA,
            pltpu.SemaphoreType.DMA,
            pltpu.SemaphoreType.DMA,
        ],
    )
    return kern(cT, ftT)


BX = 16
NXB = RES_ // BX


def _tc_body(sums_ref, counts_ref, vh_ref, vw_ref, vz_ref):
    xb = pl.program_id(0)
    inv = 1.0 / jnp.maximum(counts_ref[...], 1.0)
    mean = sums_ref[...] * inv[None]
    vw_ref[...] = jnp.max(mean, axis=2)
    vz_ref[...] = jnp.max(mean, axis=3)
    ph = jnp.max(mean, axis=1)

    @pl.when(xb == 0)
    def _init():
        vh_ref[...] = ph

    @pl.when(xb != 0)
    def _acc():
        vh_ref[...] = jnp.maximum(vh_ref[...], ph)


def _dense_views(sums4, counts3, interpret=False):
    return pl.pallas_call(
        _tc_body,
        grid=(NXB,),
        in_specs=[
            pl.BlockSpec((C_, BX, RES_, RES_), lambda i: (0, i, 0, 0)),
            pl.BlockSpec((BX, RES_, RES_), lambda i: (i, 0, 0)),
        ],
        out_specs=[
            pl.BlockSpec((C_, RES_, RES_), lambda i: (0, 0, 0)),
            pl.BlockSpec((C_, BX, RES_), lambda i: (0, i, 0)),
            pl.BlockSpec((C_, BX, RES_), lambda i: (0, i, 0)),
        ],
        out_shape=[
            jax.ShapeDtypeStruct((C_, RES_, RES_), jnp.float32),
            jax.ShapeDtypeStruct((C_, RES_, RES_), jnp.float32),
            jax.ShapeDtypeStruct((C_, RES_, RES_), jnp.float32),
        ],
        interpret=interpret,
    )(sums4, counts3)


def kernel(coords, feats):
    n = coords.shape[0]
    pad = NPAD - n
    cT = jnp.pad(coords, ((0, pad), (0, 0)),
                 constant_values=-1.0).T.reshape(-1)
    ftT2 = jnp.pad(feats.T, ((0, 0), (0, pad)))
    ftD = jnp.concatenate(
        [jnp.ones((NPAD,), jnp.float32), ftT2[0] - 1.0]
        + [ftT2[r] - ftT2[r - 1] for r in range(1, C_)])
    sums, counts = _voxel_scatter(cT, ftD)
    sums4 = sums.reshape(C_, RES_, RES_, RES_)
    counts3 = counts.reshape(RES_, RES_, RES_)
    vh, vw, vz = _dense_views(sums4, counts3)
    return jnp.stack([vh, vw, vz], axis=0)

# --- scband reference (transcript-rebuilt; emitter-appended) ---
"""Pipeline reference for scband-voxelizer-13778255086206 (READ-ONLY COPY).

The authoritative reference and input builder live on the scoring server;
editing this copy changes nothing except your own understanding.
"""

import jax, jax.numpy as jnp
import numpy as np

RES = 128
C = 8
N = 100000

def setup_inputs(seed: int = 0) -> dict:
    key = jax.random.key(seed)
    k1, k2 = jax.random.split(key)
    # coords: first 3 columns are normalized xyz in [0,1), last column is batch index (all 0 -> B=1)
    coords = jax.random.uniform(k1, (N, 4), dtype=jnp.float32)
    feats = jax.random.normal(k2, (N, C), dtype=jnp.float32)
    return {"coords": coords, "feats": feats}


def reference(coords, feats):
    res = RES
    # coords[:, :-1] = coords[:, :-1] * res  (scale normalized coords to voxel grid)
    xyz = coords[:, :3] * res
    ixyz = jnp.clip(jnp.floor(xyz).astype(jnp.int32), 0, res - 1)
    b = coords[:, 3].astype(jnp.int32)  # batch index; uniform [0,1) floors to 0 -> B = 1
    B = 1
    # scn.InputLayer(3, res, mode=4): average features of duplicate coordinates
    flat_idx = ((b * res + ixyz[:, 0]) * res + ixyz[:, 1]) * res + ixyz[:, 2]
    n_vox = B * res * res * res
    sums = jnp.zeros((n_vox, C), dtype=feats.dtype).at[flat_idx].add(feats)
    counts = jnp.zeros((n_vox,), dtype=feats.dtype).at[flat_idx].add(1.0)
    mean = sums / jnp.maximum(counts, 1.0)[:, None]
    # scn.SparseToDense(3, channels): inactive voxels are zero -> dense (B, C, H, W, Z)
    voxel = mean.reshape(B, res, res, res, C).transpose(0, 4, 1, 2, 3)
    # view='HWZ': max-project along each spatial axis, concat along batch dim
    vH = jnp.max(voxel, axis=-3)
    vW = jnp.max(voxel, axis=-2)
    vZ = jnp.max(voxel, axis=-1)
    view_mask = jnp.concatenate([vH, vW, vZ], axis=0)
    return view_mask

if __name__ == "__main__":
    import jax
    _d = setup_inputs()
    print(jax.jit(kernel)(*tuple(_d.values())))

</pallas_src>

<mosaic_0001>
#map = affine_map<(d0, d1) -> (0)>
module attributes {stable_mosaic.version = 14 : i64} {
  func.func @_sc_scatter(%arg0: i32, %arg1: i32, %arg2: memref<401408xf32, #tpu.memory_space<hbm>>, %arg3: memref<903168xf32, #tpu.memory_space<hbm>>, %arg4: memref<16777216xf32, #tpu.memory_space<hbm>>, %arg5: memref<2097152xf32, #tpu.memory_space<hbm>>, %arg6: memref<35200xf32, #tpu.memory_space<vmem>>, %arg7: memref<6272xi32, #tpu.memory_space<vmem>>, %arg8: memref<6272xi32, #tpu.memory_space<vmem>>, %arg9: memref<6272xf32, #tpu.memory_space<vmem>>, %arg10: memref<6272xf32, #tpu.memory_space<vmem>>, %arg11: memref<525312xf32, #tpu.memory_space<vmem_shared>>, %arg12: memref<525312xf32, #tpu.memory_space<vmem_shared>>, %arg13: memref<!tpu.dma_semaphore, #tpu.memory_space<semaphore_mem>>, %arg14: memref<!tpu.dma_semaphore, #tpu.memory_space<semaphore_mem>>, %arg15: memref<!tpu.dma_semaphore, #tpu.memory_space<semaphore_mem>>) attributes {dimension_semantics = [#tpu.dimension_semantics<core_parallel>, #tpu.dimension_semantics<subcore_parallel>], iteration_bounds = array<i64: 2, 16>, scalar_prefetch = 0 : i64, scratch_operands = 10 : i64, tpu.core_type = #tpu.core_type<sc_vector_subcore>, window_params = [{transform_indices = #map}, {transform_indices = #map}, {transform_indices = #map}, {transform_indices = #map}]} {
    %mul3A = arith.constant 6272 : i32
    %mul3A_0 = arith.muli %arg1, %mul3A : i32
    %dma_start3A = arith.constant 0 : i32
    %dma_start3A_1 = tpu.memref_slice %arg6[%dma_start3A] : memref<35200xf32, #tpu.memory_space<vmem>> -> memref<6272xf32, #tpu.memory_space<vmem>>
    %dma_start3A_2 = tpu.memref_slice %arg2[%mul3A_0] : memref<401408xf32, #tpu.memory_space<hbm>> -> memref<6272xf32, #tpu.memory_space<hbm>>
    %dma_start3A_3 = arith.constant 0 : i32
    %dma_start3A_4 = tpu.memref_slice %arg6[%dma_start3A_3] : memref<35200xf32, #tpu.memory_space<vmem>> -> memref<6272xf32, #tpu.memory_space<vmem>>
    %dma_start3A_5 = tpu.memref_slice %arg2[%mul3A_0] : memref<401408xf32, #tpu.memory_space<hbm>> -> memref<6272xf32, #tpu.memory_space<hbm>>
    tpu.enqueue_dma source(%dma_start3A_5 : memref<6272xf32, #tpu.memory_space<hbm>>) target(%dma_start3A_4 : memref<6272xf32, #tpu.memory_space<vmem>>) target_semaphore(%arg15 : memref<!tpu.dma_semaphore, #tpu.memory_space<semaphore_mem>>)
    %add3A = arith.constant 100352 : i32
    %add3A_6 = arith.addi %add3A, %mul3A_0 : i32
    %dma_start3A_7 = arith.constant 6272 : i32
    %dma_start3A_8 = tpu.memref_slice %arg6[%dma_start3A_7] : memref<35200xf32, #tpu.memory_space<vmem>> -> memref<6272xf32, #tpu.memory_space<vmem>>
    %dma_start3A_9 = tpu.memref_slice %arg2[%add3A_6] : memref<401408xf32, #tpu.memory_space<hbm>> -> memref<6272xf32, #tpu.memory_space<hbm>>
    %dma_start3A_10 = arith.constant 6272 : i32
    %dma_start3A_11 = tpu.memref_slice %arg6[%dma_start3A_10] : memref<35200xf32, #tpu.memory_space<vmem>> -> memref<6272xf32, #tpu.memory_space<vmem>>
    %dma_start3A_12 = tpu.memref_slice %arg2[%add3A_6] : memref<401408xf32, #tpu.memory_space<hbm>> -> memref<6272xf32, #tpu.memory_space<hbm>>
    tpu.enqueue_dma source(%dma_start3A_12 : memref<6272xf32, #tpu.memory_space<hbm>>) target(%dma_start3A_11 : memref<6272xf32, #tpu.memory_space<vmem>>) target_semaphore(%arg15 : memref<!tpu.dma_semaphore, #tpu.memory_space<semaphore_mem>>)
    %add3A_13 = arith.constant 200704 : i32
    %add3A_14 = arith.addi %add3A_13, %mul3A_0 : i32
    %dma_start3A_15 = arith.constant 12544 : i32
    %dma_start3A_16 = tpu.memref_slice %arg6[%dma_start3A_15] : memref<35200xf32, #tpu.memory_space<vmem>> -> memref<6272xf32, #tpu.memory_space<vmem>>
    %dma_start3A_17 = tpu.memref_slice %arg2[%add3A_14] : memref<401408xf32, #tpu.memory_space<hbm>> -> memref<6272xf32, #tpu.memory_space<hbm>>
    %dma_start3A_18 = arith.constant 12544 : i32
    %dma_start3A_19 = tpu.memref_slice %arg6[%dma_start3A_18] : memref<35200xf32, #tpu.memory_space<vmem>> -> memref<6272xf32, #tpu.memory_space<vmem>>
    %dma_start3A_20 = tpu.memref_slice %arg2[%add3A_14] : memref<401408xf32, #tpu.memory_space<hbm>> -> memref<6272xf32, #tpu.memory_space<hbm>>
    tpu.enqueue_dma source(%dma_start3A_20 : memref<6272xf32, #tpu.memory_space<hbm>>) target(%dma_start3A_19 : memref<6272xf32, #tpu.memory_space<vmem>>) target_semaphore(%arg15 : memref<!tpu.dma_semaphore, #tpu.memory_space<semaphore_mem>>)
    %scan3A = arith.constant 0 : i32
    %scan3A_21 = arith.constant 0 : i32
    %scan3A_22 = arith.constant 1024 : i32
    %scan3A_23 = arith.addi %scan3A_21, %scan3A_22 : i32
    %scan3A_24 = arith.constant 1 : i32
    scf.for %scan3A_431 = %scan3A_21 to %scan3A_23 step %scan3A_24  : i32 {
      %broadcast_in_dim3A = arith.constant 0.000000e+00 : f32
      %broadcast_in_dim3A_432 = vector.broadcast %broadcast_in_dim3A : f32 to vector<16xf32>
      %mul3A_433 = arith.constant 16 : i32
      %mul3A_434 = arith.muli %scan3A_431, %mul3A_433 : i32
      %add3A_435 = arith.constant 18816 : i32
      %add3A_436 = arith.addi %add3A_435, %mul3A_434 : i32
      %swap3A = arith.index_cast %add3A_436 : i32 to index
      %swap3A_437 = tpu.vector_load %arg6[%swap3A] {strides = array<i32>} : memref<35200xf32, #tpu.memory_space<vmem>>, vector<16xf32>,
      %swap3A_438 = vector.shape_cast %swap3A_437 : vector<16xf32> to vector<16xf32>
      %swap3A_439 = vector.shape_cast %broadcast_in_dim3A_432 : vector<16xf32> to vector<16xf32>
      tpu.vector_store %arg6[%swap3A], %swap3A_439 {strides = array<i32>} : memref<35200xf32, #tpu.memory_space<vmem>>, vector<16xf32>,
    }
    %scan3A_25 = arith.constant 1024 : i32
    %mul3A_26 = arith.constant 32768 : i32
    %mul3A_27 = arith.muli %arg1, %mul3A_26 : i32
    %add3A_28 = arith.constant 0 : i32
    %add3A_29 = arith.addi %mul3A_27, %add3A_28 : i32
    %dma_start3A_30 = arith.constant 18816 : i32
    %dma_start3A_31 = tpu.memref_slice %arg6[%dma_start3A_30] : memref<35200xf32, #tpu.memory_space<vmem>> -> memref<16384xf32, #tpu.memory_space<vmem>>
    %dma_start3A_32 = tpu.memref_slice %arg11[%add3A_29] : memref<525312xf32, #tpu.memory_space<vmem_shared>> -> memref<16384xf32, #tpu.memory_space<vmem_shared>>
    %dma_start3A_33 = tpu.memref_slice %arg11[%add3A_29] : memref<525312xf32, #tpu.memory_space<vmem_shared>> -> memref<16384xf32, #tpu.memory_space<vmem_shared>>
    %dma_start3A_34 = arith.constant 18816 : i32
    %dma_start3A_35 = tpu.memref_slice %arg6[%dma_start3A_34] : memref<35200xf32, #tpu.memory_space<vmem>> -> memref<16384xf32, #tpu.memory_space<vmem>>
    tpu.enqueue_dma source(%dma_start3A_35 : memref<16384xf32, #tpu.memory_space<vmem>>) target(%dma_start3A_33 : memref<16384xf32, #tpu.memory_space<vmem_shared>>) target_semaphore(%arg13 : memref<!tpu.dma_semaphore, #tpu.memory_space<semaphore_mem>>)
    %mul3A_36 = arith.constant 32768 : i32
    %mul3A_37 = arith.muli %arg1, %mul3A_36 : i32
    %add3A_38 = arith.constant 16384 : i32
    %add3A_39 = arith.addi %mul3A_37, %add3A_38 : i32
    %dma_start3A_40 = arith.constant 18816 : i32
    %dma_start3A_41 = tpu.memref_slice %arg6[%dma_start3A_40] : memref<35200xf32, #tpu.memory_space<vmem>> -> memref<16384xf32, #tpu.memory_space<vmem>>
    %dma_start3A_42 = tpu.memref_slice %arg11[%add3A_39] : memref<525312xf32, #tpu.memory_space<vmem_shared>> -> memref<16384xf32, #tpu.memory_space<vmem_shared>>
    %dma_start3A_43 = tpu.memref_slice %arg11[%add3A_39] : memref<525312xf32, #tpu.memory_space<vmem_shared>> -> memref<16384xf32, #tpu.memory_space<vmem_shared>>
    %dma_start3A_44 = arith.constant 18816 : i32
    %dma_start3A_45 = tpu.memref_slice %arg6[%dma_start3A_44] : memref<35200xf32, #tpu.memory_space<vmem>> -> memref<16384xf32, #tpu.memory_space<vmem>>
    tpu.enqueue_dma source(%dma_start3A_45 : memref<16384xf32, #tpu.memory_space<vmem>>) target(%dma_start3A_43 : memref<16384xf32, #tpu.memory_space<vmem_shared>>) target_semaphore(%arg13 : memref<!tpu.dma_semaphore, #tpu.memory_space<semaphore_mem>>)
    %mul3A_46 = arith.constant 32768 : i32
    %mul3A_47 = arith.muli %arg1, %mul3A_46 : i32
    %add3A_48 = arith.constant 0 : i32
    %add3A_49 = arith.addi %mul3A_47, %add3A_48 : i32
    %dma_start3A_50 = arith.constant 18816 : i32
    %dma_start3A_51 = tpu.memref_slice %arg6[%dma_start3A_50] : memref<35200xf32, #tpu.memory_space<vmem>> -> memref<16384xf32, #tpu.memory_space<vmem>>
    %dma_start3A_52 = tpu.memref_slice %arg12[%add3A_49] : memref<525312xf32, #tpu.memory_space<vmem_shared>> -> memref<16384xf32, #tpu.memory_space<vmem_shared>>
    %dma_start3A_53 = tpu.memref_slice %arg12[%add3A_49] : memref<525312xf32, #tpu.memory_space<vmem_shared>> -> memref<16384xf32, #tpu.memory_space<vmem_shared>>
    %dma_start3A_54 = arith.constant 18816 : i32
    %dma_start3A_55 = tpu.memref_slice %arg6[%dma_start3A_54] : memref<35200xf32, #tpu.memory_space<vmem>> -> memref<16384xf32, #tpu.memory_space<vmem>>
    tpu.enqueue_dma source(%dma_start3A_55 : memref<16384xf32, #tpu.memory_space<vmem>>) target(%dma_start3A_53 : memref<16384xf32, #tpu.memory_space<vmem_shared>>) target_semaphore(%arg13 : memref<!tpu.dma_semaphore, #tpu.memory_space<semaphore_mem>>)
    %mul3A_56 = arith.constant 32768 : i32
    %mul3A_57 = arith.muli %arg1, %mul3A_56 : i32
    %add3A_58 = arith.constant 16384 : i32
    %add3A_59 = arith.addi %mul3A_57, %add3A_58 : i32
    %dma_start3A_60 = arith.constant 18816 : i32
    %dma_start3A_61 = tpu.memref_slice %arg6[%dma_start3A_60] : memref<35200xf32, #tpu.memory_space<vmem>> -> memref<16384xf32, #tpu.memory_space<vmem>>
    %dma_start3A_62 = tpu.memref_slice %arg12[%add3A_59] : memref<525312xf32, #tpu.memory_space<vmem_shared>> -> memref<16384xf32, #tpu.memory_space<vmem_shared>>
    %dma_start3A_63 = tpu.memref_slice %arg12[%add3A_59] : memref<525312xf32, #tpu.memory_space<vmem_shared>> -> memref<16384xf32, #tpu.memory_space<vmem_shared>>
    %dma_start3A_64 = arith.constant 18816 : i32
    %dma_start3A_65 = tpu.memref_slice %arg6[%dma_start3A_64] : memref<35200xf32, #tpu.memory_space<vmem>> -> memref<16384xf32, #tpu.memory_space<vmem>>
    tpu.enqueue_dma source(%dma_start3A_65 : memref<16384xf32, #tpu.memory_space<vmem>>) target(%dma_start3A_63 : memref<16384xf32, #tpu.memory_space<vmem_shared>>) target_semaphore(%arg13 : memref<!tpu.dma_semaphore, #tpu.memory_space<semaphore_mem>>)
    %dma_wait3A = arith.constant 0 : i32
    %dma_wait3A_66 = tpu.memref_slice %arg6[%dma_wait3A] : memref<35200xf32, #tpu.memory_space<vmem>> -> memref<6272xf32, #tpu.memory_space<vmem>>
    %dma_wait3A_67 = tpu.memref_slice %arg2[%mul3A_0] : memref<401408xf32, #tpu.memory_space<hbm>> -> memref<6272xf32, #tpu.memory_space<hbm>>
    %dma_wait3A_68 = arith.constant 0 : i32
    %dma_wait3A_69 = tpu.memref_slice %arg6[%dma_wait3A_68] : memref<35200xf32, #tpu.memory_space<vmem>> -> memref<6272xf32, #tpu.memory_space<vmem>>
    %dma_wait3A_70 = tpu.memref_slice %arg2[%mul3A_0] : memref<401408xf32, #tpu.memory_space<hbm>> -> memref<6272xf32, #tpu.memory_space<hbm>>
    tpu.wait_dma2 semaphore(%arg15 : memref<!tpu.dma_semaphore, #tpu.memory_space<semaphore_mem>>) src(%dma_wait3A_70 : memref<6272xf32, #tpu.memory_space<hbm>>) dst(%dma_wait3A_69 : memref<6272xf32, #tpu.memory_space<vmem>>)
    %dma_wait3A_71 = arith.constant 6272 : i32
    %dma_wait3A_72 = tpu.memref_slice %arg6[%dma_wait3A_71] : memref<35200xf32, #tpu.memory_space<vmem>> -> memref<6272xf32, #tpu.memory_space<vmem>>
    %dma_wait3A_73 = tpu.memref_slice %arg2[%add3A_6] : memref<401408xf32, #tpu.memory_space<hbm>> -> memref<6272xf32, #tpu.memory_space<hbm>>
    %dma_wait3A_74 = arith.constant 6272 : i32
    %dma_wait3A_75 = tpu.memref_slice %arg6[%dma_wait3A_74] : memref<35200xf32, #tpu.memory_space<vmem>> -> memref<6272xf32, #tpu.memory_space<vmem>>
    %dma_wait3A_76 = tpu.memref_slice %arg2[%add3A_6] : memref<401408xf32, #tpu.memory_space<hbm>> -> memref<6272xf32, #tpu.memory_space<hbm>>
    tpu.wait_dma2 semaphore(%arg15 : memref<!tpu.dma_semaphore, #tpu.memory_space<semaphore_mem>>) src(%dma_wait3A_76 : memref<6272xf32, #tpu.memory_space<hbm>>) dst(%dma_wait3A_75 : memref<6272xf32, #tpu.memory_space<vmem>>)
    %dma_wait3A_77 = arith.constant 12544 : i32
    %dma_wait3A_78 = tpu.memref_slice %arg6[%dma_wait3A_77] : memref<35200xf32, #tpu.memory_space<vmem>> -> memref<6272xf32, #tpu.memory_space<vmem>>
    %dma_wait3A_79 = tpu.memref_slice %arg2[%add3A_14] : memref<401408xf32, #tpu.memory_space<hbm>> -> memref<6272xf32, #tpu.memory_space<hbm>>
    %dma_wait3A_80 = arith.constant 12544 : i32
    %dma_wait3A_81 = tpu.memref_slice %arg6[%dma_wait3A_80] : memref<35200xf32, #tpu.memory_space<vmem>> -> memref<6272xf32, #tpu.memory_space<vmem>>
    %dma_wait3A_82 = tpu.memref_slice %arg2[%add3A_14] : memref<401408xf32, #tpu.memory_space<hbm>> -> memref<6272xf32, #tpu.memory_space<hbm>>
    tpu.wait_dma2 semaphore(%arg15 : memref<!tpu.dma_semaphore, #tpu.memory_space<semaphore_mem>>) src(%dma_wait3A_82 : memref<6272xf32, #tpu.memory_space<hbm>>) dst(%dma_wait3A_81 : memref<6272xf32, #tpu.memory_space<vmem>>)
    %iota3A = tpu.iota {dimensions = array<i32: 0>} : vector<16xi32>
    %mul3A_83 = arith.constant 1048576 : i32
    %mul3A_84 = arith.muli %arg0, %mul3A_83 : i32
    %scan3A_85 = arith.constant 0 : i32
    %scan3A_86 = arith.constant 0 : i32
    %scan3A_87 = arith.constant 196 : i32
    %scan3A_88 = arith.addi %scan3A_86, %scan3A_87 : i32
    %scan3A_89 = arith.constant 1 : i32
    scf.for %scan3A_431 = %scan3A_86 to %scan3A_88 step %scan3A_89  : i32 {
      %mul3A_432 = arith.constant 2 : i32
      %mul3A_433 = arith.muli %scan3A_431, %mul3A_432 : i32
      %add3A_434 = arith.constant 0 : i32
      %add3A_435 = arith.addi %mul3A_433, %add3A_434 : i32
      %mul3A_436 = arith.constant 16 : i32
      %mul3A_437 = arith.muli %add3A_435, %mul3A_436 : i32
      %get3A = arith.index_cast %mul3A_437 : i32 to index
      %get3A_438 = tpu.vector_load %arg6[%get3A] {strides = array<i32>} : memref<35200xf32, #tpu.memory_space<vmem>>, vector<16xf32>,
      %get3A_439 = vector.shape_cast %get3A_438 : vector<16xf32> to vector<16xf32>
      %mul3A_440 = arith.constant 16 : i32
      %mul3A_441 = arith.muli %add3A_435, %mul3A_440 : i32
      %add3A_442 = arith.constant 6272 : i32
      %add3A_443 = arith.addi %add3A_442, %mul3A_441 : i32
      %get3A_444 = arith.index_cast %add3A_443 : i32 to index
      %get3A_445 = tpu.vector_load %arg6[%get3A_444] {strides = array<i32>} : memref<35200xf32, #tpu.memory_space<vmem>>, vector<16xf32>,
      %get3A_446 = vector.shape_cast %get3A_445 : vector<16xf32> to vector<16xf32>
      %mul3A_447 = arith.constant 16 : i32
      %mul3A_448 = arith.muli %add3A_435, %mul3A_447 : i32
      %add3A_449 = arith.constant 12544 : i32
      %add3A_450 = arith.addi %add3A_449, %mul3A_448 : i32
      %get3A_451 = arith.index_cast %add3A_450 : i32 to index
      %get3A_452 = tpu.vector_load %arg6[%get3A_451] {strides = array<i32>} : memref<35200xf32, #tpu.memory_space<vmem>>, vector<16xf32>,
      %get3A_453 = vector.shape_cast %get3A_452 : vector<16xf32> to vector<16xf32>
      %mul3A_454 = arith.constant 1.280000e+02 : f32
      %mul3A_455 = vector.broadcast %mul3A_454 : f32 to vector<16xf32>
      %mul3A_456 = arith.mulf %get3A_439, %mul3A_455 : vector<16xf32>
      %convert_element_type3A = arith.fptosi %mul3A_456 : vector<16xf32> to vector<16xi32>
      %jit3A = arith.constant 0 : i32
      %jit3A_457 = arith.constant 127 : i32
      %max3A = vector.broadcast %jit3A : i32 to vector<16xi32>
      %max3A_458 = arith.maxsi %max3A, %convert_element_type3A : vector<16xi32>
      %min3A = vector.broadcast %jit3A_457 : i32 to vector<16xi32>
      %min3A_459 = arith.minsi %min3A, %max3A_458 : vector<16xi32>
      %mul3A_460 = arith.constant 1.280000e+02 : f32
      %mul3A_461 = vector.broadcast %mul3A_460 : f32 to vector<16xf32>
      %mul3A_462 = arith.mulf %get3A_446, %mul3A_461 : vector<16xf32>
      %convert_element_type3A_463 = arith.fptosi %mul3A_462 : vector<16xf32> to vector<16xi32>
      %jit3A_464 = arith.constant 0 : i32
      %jit3A_465 = arith.constant 127 : i32
      %max3A_466 = vector.broadcast %jit3A_464 : i32 to vector<16xi32>
      %max3A_467 = arith.maxsi %max3A_466, %convert_element_type3A_463 : vector<16xi32>
      %min3A_468 = vector.broadcast %jit3A_465 : i32 to vector<16xi32>
      %min3A_469 = arith.minsi %min3A_468, %max3A_467 : vector<16xi32>
      %mul3A_470 = arith.constant 1.280000e+02 : f32
      %mul3A_471 = vector.broadcast %mul3A_470 : f32 to vector<16xf32>
      %mul3A_472 = arith.mulf %get3A_453, %mul3A_471 : vector<16xf32>
      %convert_element_type3A_473 = arith.fptosi %mul3A_472 : vector<16xf32> to vector<16xi32>
      %jit3A_474 = arith.constant 0 : i32
      %jit3A_475 = arith.constant 127 : i32
      %max3A_476 = vector.broadcast %jit3A_474 : i32 to vector<16xi32>
      %max3A_477 = arith.maxsi %max3A_476, %convert_element_type3A_473 : vector<16xi32>
      %min3A_478 = vector.broadcast %jit3A_475 : i32 to vector<16xi32>
      %min3A_479 = arith.minsi %min3A_478, %max3A_477 : vector<16xi32>
      %mul3A_480 = arith.constant 128 : i32
      %mul3A_481 = vector.broadcast %mul3A_480 : i32 to vector<16xi32>
      %mul3A_482 = arith.muli %min3A_459, %mul3A_481 : vector<16xi32>
      %add3A_483 = arith.addi %mul3A_482, %min3A_469 : vector<16xi32>
      %mul3A_484 = arith.constant 128 : i32
      %mul3A_485 = vector.broadcast %mul3A_484 : i32 to vector<16xi32>
      %mul3A_486 = arith.muli %add3A_483, %mul3A_485 : vector<16xi32>
      %add3A_487 = arith.addi %mul3A_486, %min3A_479 : vector<16xi32>
      %sub3A = vector.broadcast %mul3A_84 : i32 to vector<16xi32>
      %sub3A_488 = arith.subi %add3A_487, %sub3A : vector<16xi32>
      %sub3A_489 = arith.constant 524288 : i32
      %sub3A_490 = vector.broadcast %sub3A_489 : i32 to vector<16xi32>
      %sub3A_491 = arith.subi %sub3A_488, %sub3A_490 : vector<16xi32>
      %and3A = arith.constant 63 : i32
      %and3A_492 = arith.andi %add3A_435, %and3A : i32
      %mul3A_493 = arith.constant 16 : i32
      %mul3A_494 = arith.muli %and3A_492, %mul3A_493 : i32
      %add3A_495 = arith.constant 524288 : i32
      %add3A_496 = arith.addi %add3A_495, %mul3A_494 : i32
      %add3A_497 = vector.broadcast %add3A_496 : i32 to vector<16xi32>
      %add3A_498 = arith.addi %add3A_497, %iota3A : vector<16xi32>
      %ge3A = arith.constant 0 : i32
      %ge3A_499 = vector.broadcast %ge3A : i32 to vector<16xi32>
      %ge3A_500 = arith.cmpi sge, %sub3A_488, %ge3A_499 : vector<16xi32>
      %lt3A = arith.constant 524288 : i32
      %lt3A_501 = vector.broadcast %lt3A : i32 to vector<16xi32>
      %lt3A_502 = arith.cmpi slt, %sub3A_488, %lt3A_501 : vector<16xi32>
      %and3A_503 = arith.andi %ge3A_500, %lt3A_502 : vector<16xi1>
      %ge3A_504 = arith.constant 0.000000e+00 : f32
      %ge3A_505 = vector.broadcast %ge3A_504 : f32 to vector<16xf32>
      %ge3A_506 = arith.cmpf oge, %get3A_439, %ge3A_505 : vector<16xf32>
      %and3A_507 = arith.andi %and3A_503, %ge3A_506 : vector<16xi1>
      %ge3A_508 = arith.constant 0 : i32
      %ge3A_509 = vector.broadcast %ge3A_508 : i32 to vector<16xi32>
      %ge3A_510 = arith.cmpi sge, %sub3A_491, %ge3A_509 : vector<16xi32>
      %lt3A_511 = arith.constant 524288 : i32
      %lt3A_512 = vector.broadcast %lt3A_511 : i32 to vector<16xi32>
      %lt3A_513 = arith.cmpi slt, %sub3A_491, %lt3A_512 : vector<16xi32>
      %and3A_514 = arith.andi %ge3A_510, %lt3A_513 : vector<16xi1>
      %ge3A_515 = arith.constant 0.000000e+00 : f32
      %ge3A_516 = vector.broadcast %ge3A_515 : f32 to vector<16xf32>
      %ge3A_517 = arith.cmpf oge, %get3A_439, %ge3A_516 : vector<16xf32>
      %and3A_518 = arith.andi %and3A_514, %ge3A_517 : vector<16xi1>
      %select_n3A = arith.select %and3A_507, %sub3A_488, %add3A_498 : vector<16xi1>, vector<16xi32>
      %mul3A_519 = arith.constant 16 : i32
      %mul3A_520 = arith.muli %add3A_435, %mul3A_519 : i32
      %swap3A = arith.index_cast %mul3A_520 : i32 to index
      %swap3A_521 = tpu.vector_load %arg7[%swap3A] {strides = array<i32>} : memref<6272xi32, #tpu.memory_space<vmem>>, vector<16xi32>,
      %swap3A_522 = vector.shape_cast %swap3A_521 : vector<16xi32> to vector<16xi32>
      %swap3A_523 = vector.shape_cast %select_n3A : vector<16xi32> to vector<16xi32>
      tpu.vector_store %arg7[%swap3A], %swap3A_523 {strides = array<i32>} : memref<6272xi32, #tpu.memory_space<vmem>>, vector<16xi32>,
      %select_n3A_524 = arith.select %and3A_518, %sub3A_491, %add3A_498 : vector<16xi1>, vector<16xi32>
      %mul3A_525 = arith.constant 16 : i32
      %mul3A_526 = arith.muli %add3A_435, %mul3A_525 : i32
      %swap3A_527 = arith.index_cast %mul3A_526 : i32 to index
      %swap3A_528 = tpu.vector_load %arg8[%swap3A_527] {strides = array<i32>} : memref<6272xi32, #tpu.memory_space<vmem>>, vector<16xi32>,
      %swap3A_529 = vector.shape_cast %swap3A_528 : vector<16xi32> to vector<16xi32>
      %swap3A_530 = vector.shape_cast %select_n3A_524 : vector<16xi32> to vector<16xi32>
      tpu.vector_store %arg8[%swap3A_527], %swap3A_530 {strides = array<i32>} : memref<6272xi32, #tpu.memory_space<vmem>>, vector<16xi32>,
      %mul3A_531 = arith.constant 2 : i32
      %mul3A_532 = arith.muli %scan3A_431, %mul3A_531 : i32
      %add3A_533 = arith.constant 1 : i32
      %add3A_534 = arith.addi %mul3A_532, %add3A_533 : i32
      %mul3A_535 = arith.constant 16 : i32
      %mul3A_536 = arith.muli %add3A_534, %mul3A_535 : i32
      %get3A_537 = arith.index_cast %mul3A_536 : i32 to index
      %get3A_538 = tpu.vector_load %arg6[%get3A_537] {strides = array<i32>} : memref<35200xf32, #tpu.memory_space<vmem>>, vector<16xf32>,
      %get3A_539 = vector.shape_cast %get3A_538 : vector<16xf32> to vector<16xf32>
      %mul3A_540 = arith.constant 16 : i32
      %mul3A_541 = arith.muli %add3A_534, %mul3A_540 : i32
      %add3A_542 = arith.constant 6272 : i32
      %add3A_543 = arith.addi %add3A_542, %mul3A_541 : i32
      %get3A_544 = arith.index_cast %add3A_543 : i32 to index
      %get3A_545 = tpu.vector_load %arg6[%get3A_544] {strides = array<i32>} : memref<35200xf32, #tpu.memory_space<vmem>>, vector<16xf32>,
      %get3A_546 = vector.shape_cast %get3A_545 : vector<16xf32> to vector<16xf32>
      %mul3A_547 = arith.constant 16 : i32
      %mul3A_548 = arith.muli %add3A_534, %mul3A_547 : i32
      %add3A_549 = arith.constant 12544 : i32
      %add3A_550 = arith.addi %add3A_549, %mul3A_548 : i32
      %get3A_551 = arith.index_cast %add3A_550 : i32 to index
      %get3A_552 = tpu.vector_load %arg6[%get3A_551] {strides = array<i32>} : memref<35200xf32, #tpu.memory_space<vmem>>, vector<16xf32>,
      %get3A_553 = vector.shape_cast %get3A_552 : vector<16xf32> to vector<16xf32>
      %mul3A_554 = arith.constant 1.280000e+02 : f32
      %mul3A_555 = vector.broadcast %mul3A_554 : f32 to vector<16xf32>
      %mul3A_556 = arith.mulf %get3A_539, %mul3A_555 : vector<16xf32>
      %convert_element_type3A_557 = arith.fptosi %mul3A_556 : vector<16xf32> to vector<16xi32>
      %jit3A_558 = arith.constant 0 : i32
      %jit3A_559 = arith.constant 127 : i32
      %max3A_560 = vector.broadcast %jit3A_558 : i32 to vector<16xi32>
      %max3A_561 = arith.maxsi %max3A_560, %convert_element_type3A_557 : vector<16xi32>
      %min3A_562 = vector.broadcast %jit3A_559 : i32 to vector<16xi32>
      %min3A_563 = arith.minsi %min3A_562, %max3A_561 : vector<16xi32>
      %mul3A_564 = arith.constant 1.280000e+02 : f32
      %mul3A_565 = vector.broadcast %mul3A_564 : f32 to vector<16xf32>
      %mul3A_566 = arith.mulf %get3A_546, %mul3A_565 : vector<16xf32>
      %convert_element_type3A_567 = arith.fptosi %mul3A_566 : vector<16xf32> to vector<16xi32>
      %jit3A_568 = arith.constant 0 : i32
      %jit3A_569 = arith.constant 127 : i32
      %max3A_570 = vector.broadcast %jit3A_568 : i32 to vector<16xi32>
      %max3A_571 = arith.maxsi %max3A_570, %convert_element_type3A_567 : vector<16xi32>
      %min3A_572 = vector.broadcast %jit3A_569 : i32 to vector<16xi32>
      %min3A_573 = arith.minsi %min3A_572, %max3A_571 : vector<16xi32>
      %mul3A_574 = arith.constant 1.280000e+02 : f32
      %mul3A_575 = vector.broadcast %mul3A_574 : f32 to vector<16xf32>
      %mul3A_576 = arith.mulf %get3A_553, %mul3A_575 : vector<16xf32>
      %convert_element_type3A_577 = arith.fptosi %mul3A_576 : vector<16xf32> to vector<16xi32>
      %jit3A_578 = arith.constant 0 : i32
      %jit3A_579 = arith.constant 127 : i32
      %max3A_580 = vector.broadcast %jit3A_578 : i32 to vector<16xi32>
      %max3A_581 = arith.maxsi %max3A_580, %convert_element_type3A_577 : vector<16xi32>
      %min3A_582 = vector.broadcast %jit3A_579 : i32 to vector<16xi32>
      %min3A_583 = arith.minsi %min3A_582, %max3A_581 : vector<16xi32>
      %mul3A_584 = arith.constant 128 : i32
      %mul3A_585 = vector.broadcast %mul3A_584 : i32 to vector<16xi32>
      %mul3A_586 = arith.muli %min3A_563, %mul3A_585 : vector<16xi32>
      %add3A_587 = arith.addi %mul3A_586, %min3A_573 : vector<16xi32>
      %mul3A_588 = arith.constant 128 : i32
      %mul3A_589 = vector.broadcast %mul3A_588 : i32 to vector<16xi32>
      %mul3A_590 = arith.muli %add3A_587, %mul3A_589 : vector<16xi32>
      %add3A_591 = arith.addi %mul3A_590, %min3A_583 : vector<16xi32>
      %sub3A_592 = vector.broadcast %mul3A_84 : i32 to vector<16xi32>
      %sub3A_593 = arith.subi %add3A_591, %sub3A_592 : vector<16xi32>
      %sub3A_594 = arith.constant 524288 : i32
      %sub3A_595 = vector.broadcast %sub3A_594 : i32 to vector<16xi32>
      %sub3A_596 = arith.subi %sub3A_593, %sub3A_595 : vector<16xi32>
      %and3A_597 = arith.constant 63 : i32
      %and3A_598 = arith.andi %add3A_534, %and3A_597 : i32
      %mul3A_599 = arith.constant 16 : i32
      %mul3A_600 = arith.muli %and3A_598, %mul3A_599 : i32
      %add3A_601 = arith.constant 524288 : i32
      %add3A_602 = arith.addi %add3A_601, %mul3A_600 : i32
      %add3A_603 = vector.broadcast %add3A_602 : i32 to vector<16xi32>
      %add3A_604 = arith.addi %add3A_603, %iota3A : vector<16xi32>
      %ge3A_605 = arith.constant 0 : i32
      %ge3A_606 = vector.broadcast %ge3A_605 : i32 to vector<16xi32>
      %ge3A_607 = arith.cmpi sge, %sub3A_593, %ge3A_606 : vector<16xi32>
      %lt3A_608 = arith.constant 524288 : i32
      %lt3A_609 = vector.broadcast %lt3A_608 : i32 to vector<16xi32>
      %lt3A_610 = arith.cmpi slt, %sub3A_593, %lt3A_609 : vector<16xi32>
      %and3A_611 = arith.andi %ge3A_607, %lt3A_610 : vector<16xi1>
      %ge3A_612 = arith.constant 0.000000e+00 : f32
      %ge3A_613 = vector.broadcast %ge3A_612 : f32 to vector<16xf32>
      %ge3A_614 = arith.cmpf oge, %get3A_539, %ge3A_613 : vector<16xf32>
      %and3A_615 = arith.andi %and3A_611, %ge3A_614 : vector<16xi1>
      %ge3A_616 = arith.constant 0 : i32
      %ge3A_617 = vector.broadcast %ge3A_616 : i32 to vector<16xi32>
      %ge3A_618 = arith.cmpi sge, %sub3A_596, %ge3A_617 : vector<16xi32>
      %lt3A_619 = arith.constant 524288 : i32
      %lt3A_620 = vector.broadcast %lt3A_619 : i32 to vector<16xi32>
      %lt3A_621 = arith.cmpi slt, %sub3A_596, %lt3A_620 : vector<16xi32>
      %and3A_622 = arith.andi %ge3A_618, %lt3A_621 : vector<16xi1>
      %ge3A_623 = arith.constant 0.000000e+00 : f32
      %ge3A_624 = vector.broadcast %ge3A_623 : f32 to vector<16xf32>
      %ge3A_625 = arith.cmpf oge, %get3A_539, %ge3A_624 : vector<16xf32>
      %and3A_626 = arith.andi %and3A_622, %ge3A_625 : vector<16xi1>
      %select_n3A_627 = arith.select %and3A_615, %sub3A_593, %add3A_604 : vector<16xi1>, vector<16xi32>
      %mul3A_628 = arith.constant 16 : i32
      %mul3A_629 = arith.muli %add3A_534, %mul3A_628 : i32
      %swap3A_630 = arith.index_cast %mul3A_629 : i32 to index
      %swap3A_631 = tpu.vector_load %arg7[%swap3A_630] {strides = array<i32>} : memref<6272xi32, #tpu.memory_space<vmem>>, vector<16xi32>,
      %swap3A_632 = vector.shape_cast %swap3A_631 : vector<16xi32> to vector<16xi32>
      %swap3A_633 = vector.shape_cast %select_n3A_627 : vector<16xi32> to vector<16xi32>
      tpu.vector_store %arg7[%swap3A_630], %swap3A_633 {strides = array<i32>} : memref<6272xi32, #tpu.memory_space<vmem>>, vector<16xi32>,
      %select_n3A_634 = arith.select %and3A_626, %sub3A_596, %add3A_604 : vector<16xi1>, vector<16xi32>
      %mul3A_635 = arith.constant 16 : i32
      %mul3A_636 = arith.muli %add3A_534, %mul3A_635 : i32
      %swap3A_637 = arith.index_cast %mul3A_636 : i32 to index
      %swap3A_638 = tpu.vector_load %arg8[%swap3A_637] {strides = array<i32>} : memref<6272xi32, #tpu.memory_space<vmem>>, vector<16xi32>,
      %swap3A_639 = vector.shape_cast %swap3A_638 : vector<16xi32> to vector<16xi32>
      %swap3A_640 = vector.shape_cast %select_n3A_634 : vector<16xi32> to vector<16xi32>
      tpu.vector_store %arg8[%swap3A_637], %swap3A_640 {strides = array<i32>} : memref<6272xi32, #tpu.memory_space<vmem>>, vector<16xi32>,
    }
    %scan3A_90 = arith.constant 196 : i32
    %dma_wait3A_91 = arith.constant 18816 : i32
    %dma_wait3A_92 = tpu.memref_slice %arg6[%dma_wait3A_91] : memref<35200xf32, #tpu.memory_space<vmem>> -> memref<16384xf32, #tpu.memory_space<vmem>>
    %dma_wait3A_93 = tpu.memref_slice %arg11[%add3A_29] : memref<525312xf32, #tpu.memory_space<vmem_shared>> -> memref<16384xf32, #tpu.memory_space<vmem_shared>>
    %dma_wait3A_94 = tpu.memref_slice %arg11[%add3A_29] : memref<525312xf32, #tpu.memory_space<vmem_shared>> -> memref<16384xf32, #tpu.memory_space<vmem_shared>>
    %dma_wait3A_95 = arith.constant 18816 : i32
    %dma_wait3A_96 = tpu.memref_slice %arg6[%dma_wait3A_95] : memref<35200xf32, #tpu.memory_space<vmem>> -> memref<16384xf32, #tpu.memory_space<vmem>>
    tpu.wait_dma2 semaphore(%arg13 : memref<!tpu.dma_semaphore, #tpu.memory_space<semaphore_mem>>) src(%dma_wait3A_96 : memref<16384xf32, #tpu.memory_space<vmem>>) dst(%dma_wait3A_94 : memref<16384xf32, #tpu.memory_space<vmem_shared>>)
    %dma_wait3A_97 = arith.constant 18816 : i32
    %dma_wait3A_98 = tpu.memref_slice %arg6[%dma_wait3A_97] : memref<35200xf32, #tpu.memory_space<vmem>> -> memref<16384xf32, #tpu.memory_space<vmem>>
    %dma_wait3A_99 = tpu.memref_slice %arg11[%add3A_39] : memref<525312xf32, #tpu.memory_space<vmem_shared>> -> memref<16384xf32, #tpu.memory_space<vmem_shared>>
    %dma_wait3A_100 = tpu.memref_slice %arg11[%add3A_39] : memref<525312xf32, #tpu.memory_space<vmem_shared>> -> memref<16384xf32, #tpu.memory_space<vmem_shared>>
    %dma_wait3A_101 = arith.constant 18816 : i32
    %dma_wait3A_102 = tpu.memref_slice %arg6[%dma_wait3A_101] : memref<35200xf32, #tpu.memory_space<vmem>> -> memref<16384xf32, #tpu.memory_space<vmem>>
    tpu.wait_dma2 semaphore(%arg13 : memref<!tpu.dma_semaphore, #tpu.memory_space<semaphore_mem>>) src(%dma_wait3A_102 : memref<16384xf32, #tpu.memory_space<vmem>>) dst(%dma_wait3A_100 : memref<16384xf32, #tpu.memory_space<vmem_shared>>)
    %dma_wait3A_103 = arith.constant 18816 : i32
    %dma_wait3A_104 = tpu.memref_slice %arg6[%dma_wait3A_103] : memref<35200xf32, #tpu.memory_space<vmem>> -> memref<16384xf32, #tpu.memory_space<vmem>>
    %dma_wait3A_105 = tpu.memref_slice %arg12[%add3A_49] : memref<525312xf32, #tpu.memory_space<vmem_shared>> -> memref<16384xf32, #tpu.memory_space<vmem_shared>>
    %dma_wait3A_106 = tpu.memref_slice %arg12[%add3A_49] : memref<525312xf32, #tpu.memory_space<vmem_shared>> -> memref<16384xf32, #tpu.memory_space<vmem_shared>>
    %dma_wait3A_107 = arith.constant 18816 : i32
    %dma_wait3A_108 = tpu.memref_slice %arg6[%dma_wait3A_107] : memref<35200xf32, #tpu.memory_space<vmem>> -> memref<16384xf32, #tpu.memory_space<vmem>>
    tpu.wait_dma2 semaphore(%arg13 : memref<!tpu.dma_semaphore, #tpu.memory_space<semaphore_mem>>) src(%dma_wait3A_108 : memref<16384xf32, #tpu.memory_space<vmem>>) dst(%dma_wait3A_106 : memref<16384xf32, #tpu.memory_space<vmem_shared>>)
    %dma_wait3A_109 = arith.constant 18816 : i32
    %dma_wait3A_110 = tpu.memref_slice %arg6[%dma_wait3A_109] : memref<35200xf32, #tpu.memory_space<vmem>> -> memref<16384xf32, #tpu.memory_space<vmem>>
    %dma_wait3A_111 = tpu.memref_slice %arg12[%add3A_59] : memref<525312xf32, #tpu.memory_space<vmem_shared>> -> memref<16384xf32, #tpu.memory_space<vmem_shared>>
    %dma_wait3A_112 = tpu.memref_slice %arg12[%add3A_59] : memref<525312xf32, #tpu.memory_space<vmem_shared>> -> memref<16384xf32, #tpu.memory_space<vmem_shared>>
    %dma_wait3A_113 = arith.constant 18816 : i32
    %dma_wait3A_114 = tpu.memref_slice %arg6[%dma_wait3A_113] : memref<35200xf32, #tpu.memory_space<vmem>> -> memref<16384xf32, #tpu.memory_space<vmem>>
    tpu.wait_dma2 semaphore(%arg13 : memref<!tpu.dma_semaphore, #tpu.memory_space<semaphore_mem>>) src(%dma_wait3A_114 : memref<16384xf32, #tpu.memory_space<vmem>>) dst(%dma_wait3A_112 : memref<16384xf32, #tpu.memory_space<vmem_shared>>)
    %barrier3A = arith.constant 0 : index
    tpu.barrier barrier_id(%barrier3A)
    %dma_start3A_115 = tpu.memref_slice %arg3[%mul3A_0] : memref<903168xf32, #tpu.memory_space<hbm>> -> memref<6272xf32, #tpu.memory_space<hbm>>
    %dma_start3A_116 = tpu.memref_slice %arg3[%mul3A_0] : memref<903168xf32, #tpu.memory_space<hbm>> -> memref<6272xf32, #tpu.memory_space<hbm>>
    tpu.enqueue_dma source(%dma_start3A_116 : memref<6272xf32, #tpu.memory_space<hbm>>) target(%arg9 : memref<6272xf32, #tpu.memory_space<vmem>>) target_semaphore(%arg15 : memref<!tpu.dma_semaphore, #tpu.memory_space<semaphore_mem>>)
    %dma_wait3A_117 = tpu.memref_slice %arg3[%mul3A_0] : memref<903168xf32, #tpu.memory_space<hbm>> -> memref<6272xf32, #tpu.memory_space<hbm>>
    %dma_wait3A_118 = tpu.memref_slice %arg3[%mul3A_0] : memref<903168xf32, #tpu.memory_space<hbm>> -> memref<6272xf32, #tpu.memory_space<hbm>>
    tpu.wait_dma2 semaphore(%arg15 : memref<!tpu.dma_semaphore, #tpu.memory_space<semaphore_mem>>) src(%dma_wait3A_118 : memref<6272xf32, #tpu.memory_space<hbm>>) dst(%arg9 : memref<6272xf32, #tpu.memory_space<vmem>>)
    %add3A_119 = arith.constant 100352 : i32
    %add3A_120 = arith.addi %add3A_119, %mul3A_0 : i32
    %dma_start3A_121 = tpu.memref_slice %arg3[%add3A_120] : memref<903168xf32, #tpu.memory_space<hbm>> -> memref<6272xf32, #tpu.memory_space<hbm>>
    %dma_start3A_122 = tpu.memref_slice %arg3[%add3A_120] : memref<903168xf32, #tpu.memory_space<hbm>> -> memref<6272xf32, #tpu.memory_space<hbm>>
    tpu.enqueue_dma source(%dma_start3A_122 : memref<6272xf32, #tpu.memory_space<hbm>>) target(%arg10 : memref<6272xf32, #tpu.memory_space<vmem>>) target_semaphore(%arg15 : memref<!tpu.dma_semaphore, #tpu.memory_space<semaphore_mem>>)
    "tpu.region"() ({
      %run_scoped3A = tpu.sem_alloc : memref<!tpu.dma_semaphore, #tpu.memory_space<semaphore_mem>>
      %dma_start3A_431 = arith.constant 0 : i32
      %dma_start3A_432 = tpu.memref_slice %arg11[%dma_start3A_431] : memref<525312xf32, #tpu.memory_space<vmem_shared>> -> memref<525312xf32, #tpu.memory_space<vmem_shared>>
      tpu.enqueue_indirect_dma source(%arg9 : memref<6272xf32, #tpu.memory_space<vmem>>) target(%dma_start3A_432 : memref<525312xf32, #tpu.memory_space<vmem_shared>>) offsets(%arg7 : memref<6272xi32, #tpu.memory_space<vmem>>) semaphore(%run_scoped3A : memref<!tpu.dma_semaphore, #tpu.memory_space<semaphore_mem>>) {add = true}
      %dma_wait3A_433 = arith.constant 0 : i32
      %dma_wait3A_434 = tpu.memref_slice %arg11[%dma_wait3A_433] : memref<525312xf32, #tpu.memory_space<vmem_shared>> -> memref<525312xf32, #tpu.memory_space<vmem_shared>>
      tpu.wait_indirect_dma semaphore(%run_scoped3A : memref<!tpu.dma_semaphore, #tpu.memory_space<semaphore_mem>>) src(%arg9 : memref<6272xf32, #tpu.memory_space<vmem>>) dst(%dma_wait3A_434 : memref<525312xf32, #tpu.memory_space<vmem_shared>>)
      tpu.yield
    }) : () -> ()
    %barrier3A_123 = arith.constant 0 : index
    tpu.barrier barrier_id(%barrier3A_123)
    %add3A_124 = arith.constant 0 : i32
    %add3A_125 = arith.addi %mul3A_84, %add3A_124 : i32
    %mul3A_126 = arith.constant 32768 : i32
    %mul3A_127 = arith.muli %arg1, %mul3A_126 : i32
    %add3A_128 = arith.addi %add3A_125, %mul3A_127 : i32
    %mul3A_129 = arith.constant 32768 : i32
    %mul3A_130 = arith.muli %arg1, %mul3A_129 : i32
    %dma_start3A_131 = tpu.memref_slice %arg5[%add3A_128] : memref<2097152xf32, #tpu.memory_space<hbm>> -> memref<32768xf32, #tpu.memory_space<hbm>>
    %dma_start3A_132 = tpu.memref_slice %arg11[%mul3A_130] : memref<525312xf32, #tpu.memory_space<vmem_shared>> -> memref<32768xf32, #tpu.memory_space<vmem_shared>>
    tpu.enqueue_dma source(%dma_start3A_132 : memref<32768xf32, #tpu.memory_space<vmem_shared>>) target(%dma_start3A_131 : memref<32768xf32, #tpu.memory_space<hbm>>) target_semaphore(%arg13 : memref<!tpu.dma_semaphore, #tpu.memory_space<semaphore_mem>>)
    "tpu.region"() ({
      %run_scoped3A = tpu.sem_alloc : memref<!tpu.dma_semaphore, #tpu.memory_space<semaphore_mem>>
      %dma_start3A_431 = arith.constant 0 : i32
      %dma_start3A_432 = tpu.memref_slice %arg12[%dma_start3A_431] : memref<525312xf32, #tpu.memory_space<vmem_shared>> -> memref<525312xf32, #tpu.memory_space<vmem_shared>>
      tpu.enqueue_indirect_dma source(%arg9 : memref<6272xf32, #tpu.memory_space<vmem>>) target(%dma_start3A_432 : memref<525312xf32, #tpu.memory_space<vmem_shared>>) offsets(%arg8 : memref<6272xi32, #tpu.memory_space<vmem>>) semaphore(%run_scoped3A : memref<!tpu.dma_semaphore, #tpu.memory_space<semaphore_mem>>) {add = true}
      %dma_wait3A_433 = arith.constant 0 : i32
      %dma_wait3A_434 = tpu.memref_slice %arg12[%dma_wait3A_433] : memref<525312xf32, #tpu.memory_space<vmem_shared>> -> memref<525312xf32, #tpu.memory_space<vmem_shared>>
      tpu.wait_indirect_dma semaphore(%run_scoped3A : memref<!tpu.dma_semaphore, #tpu.memory_space<semaphore_mem>>) src(%arg9 : memref<6272xf32, #tpu.memory_space<vmem>>) dst(%dma_wait3A_434 : memref<525312xf32, #tpu.memory_space<vmem_shared>>)
      tpu.yield
    }) : () -> ()
    %barrier3A_133 = arith.constant 0 : index
    tpu.barrier barrier_id(%barrier3A_133)
    %add3A_134 = arith.constant 524288 : i32
    %add3A_135 = arith.addi %mul3A_84, %add3A_134 : i32
    %mul3A_136 = arith.constant 32768 : i32
    %mul3A_137 = arith.muli %arg1, %mul3A_136 : i32
    %add3A_138 = arith.addi %add3A_135, %mul3A_137 : i32
    %mul3A_139 = arith.constant 32768 : i32
    %mul3A_140 = arith.muli %arg1, %mul3A_139 : i32
    %dma_start3A_141 = tpu.memref_slice %arg5[%add3A_138] : memref<2097152xf32, #tpu.memory_space<hbm>> -> memref<32768xf32, #tpu.memory_space<hbm>>
    %dma_start3A_142 = tpu.memref_slice %arg12[%mul3A_140] : memref<525312xf32, #tpu.memory_space<vmem_shared>> -> memref<32768xf32, #tpu.memory_space<vmem_shared>>
    tpu.enqueue_dma source(%dma_start3A_142 : memref<32768xf32, #tpu.memory_space<vmem_shared>>) target(%dma_start3A_141 : memref<32768xf32, #tpu.memory_space<hbm>>) target_semaphore(%arg14 : memref<!tpu.dma_semaphore, #tpu.memory_space<semaphore_mem>>)
    %dma_wait3A_143 = tpu.memref_slice %arg3[%add3A_120] : memref<903168xf32, #tpu.memory_space<hbm>> -> memref<6272xf32, #tpu.memory_space<hbm>>
    %dma_wait3A_144 = tpu.memref_slice %arg3[%add3A_120] : memref<903168xf32, #tpu.memory_space<hbm>> -> memref<6272xf32, #tpu.memory_space<hbm>>
    tpu.wait_dma2 semaphore(%arg15 : memref<!tpu.dma_semaphore, #tpu.memory_space<semaphore_mem>>) src(%dma_wait3A_144 : memref<6272xf32, #tpu.memory_space<hbm>>) dst(%arg10 : memref<6272xf32, #tpu.memory_space<vmem>>)
    %add3A_145 = arith.constant 200704 : i32
    %add3A_146 = arith.addi %add3A_145, %mul3A_0 : i32
    %dma_start3A_147 = tpu.memref_slice %arg3[%add3A_146] : memref<903168xf32, #tpu.memory_space<hbm>> -> memref<6272xf32, #tpu.memory_space<hbm>>
    %dma_start3A_148 = tpu.memref_slice %arg3[%add3A_146] : memref<903168xf32, #tpu.memory_space<hbm>> -> memref<6272xf32, #tpu.memory_space<hbm>>
    tpu.enqueue_dma source(%dma_start3A_148 : memref<6272xf32, #tpu.memory_space<hbm>>) target(%arg9 : memref<6272xf32, #tpu.memory_space<vmem>>) target_semaphore(%arg15 : memref<!tpu.dma_semaphore, #tpu.memory_space<semaphore_mem>>)
    %dma_wait3A_149 = tpu.memref_slice %arg5[%add3A_128] : memref<2097152xf32, #tpu.memory_space<hbm>> -> memref<32768xf32, #tpu.memory_space<hbm>>
    %dma_wait3A_150 = tpu.memref_slice %arg11[%mul3A_130] : memref<525312xf32, #tpu.memory_space<vmem_shared>> -> memref<32768xf32, #tpu.memory_space<vmem_shared>>
    tpu.wait_dma2 semaphore(%arg13 : memref<!tpu.dma_semaphore, #tpu.memory_space<semaphore_mem>>) src(%dma_wait3A_150 : memref<32768xf32, #tpu.memory_space<vmem_shared>>) dst(%dma_wait3A_149 : memref<32768xf32, #tpu.memory_space<hbm>>)
    %barrier3A_151 = arith.constant 0 : index
    tpu.barrier barrier_id(%barrier3A_151)
    "tpu.region"() ({
      %run_scoped3A = tpu.sem_alloc : memref<!tpu.dma_semaphore, #tpu.memory_space<semaphore_mem>>
      %dma_start3A_431 = arith.constant 0 : i32
      %dma_start3A_432 = tpu.memref_slice %arg11[%dma_start3A_431] : memref<525312xf32, #tpu.memory_space<vmem_shared>> -> memref<525312xf32, #tpu.memory_space<vmem_shared>>
      tpu.enqueue_indirect_dma source(%arg10 : memref<6272xf32, #tpu.memory_space<vmem>>) target(%dma_start3A_432 : memref<525312xf32, #tpu.memory_space<vmem_shared>>) offsets(%arg7 : memref<6272xi32, #tpu.memory_space<vmem>>) semaphore(%run_scoped3A : memref<!tpu.dma_semaphore, #tpu.memory_space<semaphore_mem>>) {add = true}
      %dma_wait3A_433 = arith.constant 0 : i32
      %dma_wait3A_434 = tpu.memref_slice %arg11[%dma_wait3A_433] : memref<525312xf32, #tpu.memory_space<vmem_shared>> -> memref<525312xf32, #tpu.memory_space<vmem_shared>>
      tpu.wait_indirect_dma semaphore(%run_scoped3A : memref<!tpu.dma_semaphore, #tpu.memory_space<semaphore_mem>>) src(%arg10 : memref<6272xf32, #tpu.memory_space<vmem>>) dst(%dma_wait3A_434 : memref<525312xf32, #tpu.memory_space<vmem_shared>>)
      tpu.yield
    }) : () -> ()
    %barrier3A_152 = arith.constant 0 : index
    tpu.barrier barrier_id(%barrier3A_152)
    %add3A_153 = arith.constant 0 : i32
    %add3A_154 = arith.addi %mul3A_84, %add3A_153 : i32
    %mul3A_155 = arith.constant 32768 : i32
    %mul3A_156 = arith.muli %arg1, %mul3A_155 : i32
    %add3A_157 = arith.addi %add3A_154, %mul3A_156 : i32
    %mul3A_158 = arith.constant 32768 : i32
    %mul3A_159 = arith.muli %arg1, %mul3A_158 : i32
    %add3A_160 = arith.constant 0 : i32
    %add3A_161 = arith.addi %add3A_160, %add3A_157 : i32
    %dma_start3A_162 = tpu.memref_slice %arg4[%add3A_161] : memref<16777216xf32, #tpu.memory_space<hbm>> -> memref<32768xf32, #tpu.memory_space<hbm>>
    %dma_start3A_163 = tpu.memref_slice %arg11[%mul3A_159] : memref<525312xf32, #tpu.memory_space<vmem_shared>> -> memref<32768xf32, #tpu.memory_space<vmem_shared>>
    tpu.enqueue_dma source(%dma_start3A_163 : memref<32768xf32, #tpu.memory_space<vmem_shared>>) target(%dma_start3A_162 : memref<32768xf32, #tpu.memory_space<hbm>>) target_semaphore(%arg13 : memref<!tpu.dma_semaphore, #tpu.memory_space<semaphore_mem>>)
    %dma_wait3A_164 = tpu.memref_slice %arg5[%add3A_138] : memref<2097152xf32, #tpu.memory_space<hbm>> -> memref<32768xf32, #tpu.memory_space<hbm>>
    %dma_wait3A_165 = tpu.memref_slice %arg12[%mul3A_140] : memref<525312xf32, #tpu.memory_space<vmem_shared>> -> memref<32768xf32, #tpu.memory_space<vmem_shared>>
    tpu.wait_dma2 semaphore(%arg14 : memref<!tpu.dma_semaphore, #tpu.memory_space<semaphore_mem>>) src(%dma_wait3A_165 : memref<32768xf32, #tpu.memory_space<vmem_shared>>) dst(%dma_wait3A_164 : memref<32768xf32, #tpu.memory_space<hbm>>)
    %barrier3A_166 = arith.constant 0 : index
    tpu.barrier barrier_id(%barrier3A_166)
    "tpu.region"() ({
      %run_scoped3A = tpu.sem_alloc : memref<!tpu.dma_semaphore, #tpu.memory_space<semaphore_mem>>
      %dma_start3A_431 = arith.constant 0 : i32
      %dma_start3A_432 = tpu.memref_slice %arg12[%dma_start3A_431] : memref<525312xf32, #tpu.memory_space<vmem_shared>> -> memref<525312xf32, #tpu.memory_space<vmem_shared>>
      tpu.enqueue_indirect_dma source(%arg10 : memref<6272xf32, #tpu.memory_space<vmem>>) target(%dma_start3A_432 : memref<525312xf32, #tpu.memory_space<vmem_shared>>) offsets(%arg8 : memref<6272xi32, #tpu.memory_space<vmem>>) semaphore(%run_scoped3A : memref<!tpu.dma_semaphore, #tpu.memory_space<semaphore_mem>>) {add = true}
      %dma_wait3A_433 = arith.constant 0 : i32
      %dma_wait3A_434 = tpu.memref_slice %arg12[%dma_wait3A_433] : memref<525312xf32, #tpu.memory_space<vmem_shared>> -> memref<525312xf32, #tpu.memory_space<vmem_shared>>
      tpu.wait_indirect_dma semaphore(%run_scoped3A : memref<!tpu.dma_semaphore, #tpu.memory_space<semaphore_mem>>) src(%arg10 : memref<6272xf32, #tpu.memory_space<vmem>>) dst(%dma_wait3A_434 : memref<525312xf32, #tpu.memory_space<vmem_shared>>)
      tpu.yield
    }) : () -> ()
    %barrier3A_167 = arith.constant 0 : index
    tpu.barrier barrier_id(%barrier3A_167)
    %add3A_168 = arith.constant 524288 : i32
    %add3A_169 = arith.addi %mul3A_84, %add3A_168 : i32
    %mul3A_170 = arith.constant 32768 : i32
    %mul3A_171 = arith.muli %arg1, %mul3A_170 : i32
    %add3A_172 = arith.addi %add3A_169, %mul3A_171 : i32
    %mul3A_173 = arith.constant 32768 : i32
    %mul3A_174 = arith.muli %arg1, %mul3A_173 : i32
    %add3A_175 = arith.constant 0 : i32
    %add3A_176 = arith.addi %add3A_175, %add3A_172 : i32
    %dma_start3A_177 = tpu.memref_slice %arg4[%add3A_176] : memref<16777216xf32, #tpu.memory_space<hbm>> -> memref<32768xf32, #tpu.memory_space<hbm>>
    %dma_start3A_178 = tpu.memref_slice %arg12[%mul3A_174] : memref<525312xf32, #tpu.memory_space<vmem_shared>> -> memref<32768xf32, #tpu.memory_space<vmem_shared>>
    tpu.enqueue_dma source(%dma_start3A_178 : memref<32768xf32, #tpu.memory_space<vmem_shared>>) target(%dma_start3A_177 : memref<32768xf32, #tpu.memory_space<hbm>>) target_semaphore(%arg14 : memref<!tpu.dma_semaphore, #tpu.memory_space<semaphore_mem>>)
    %dma_wait3A_179 = tpu.memref_slice %arg3[%add3A_146] : memref<903168xf32, #tpu.memory_space<hbm>> -> memref<6272xf32, #tpu.memory_space<hbm>>
    %dma_wait3A_180 = tpu.memref_slice %arg3[%add3A_146] : memref<903168xf32, #tpu.memory_space<hbm>> -> memref<6272xf32, #tpu.memory_space<hbm>>
    tpu.wait_dma2 semaphore(%arg15 : memref<!tpu.dma_semaphore, #tpu.memory_space<semaphore_mem>>) src(%dma_wait3A_180 : memref<6272xf32, #tpu.memory_space<hbm>>) dst(%arg9 : memref<6272xf32, #tpu.memory_space<vmem>>)
    %add3A_181 = arith.constant 301056 : i32
    %add3A_182 = arith.addi %add3A_181, %mul3A_0 : i32
    %dma_start3A_183 = tpu.memref_slice %arg3[%add3A_182] : memref<903168xf32, #tpu.memory_space<hbm>> -> memref<6272xf32, #tpu.memory_space<hbm>>
    %dma_start3A_184 = tpu.memref_slice %arg3[%add3A_182] : memref<903168xf32, #tpu.memory_space<hbm>> -> memref<6272xf32, #tpu.memory_space<hbm>>
    tpu.enqueue_dma source(%dma_start3A_184 : memref<6272xf32, #tpu.memory_space<hbm>>) target(%arg10 : memref<6272xf32, #tpu.memory_space<vmem>>) target_semaphore(%arg15 : memref<!tpu.dma_semaphore, #tpu.memory_space<semaphore_mem>>)
    %dma_wait3A_185 = tpu.memref_slice %arg4[%add3A_161] : memref<16777216xf32, #tpu.memory_space<hbm>> -> memref<32768xf32, #tpu.memory_space<hbm>>
    %dma_wait3A_186 = tpu.memref_slice %arg11[%mul3A_159] : memref<525312xf32, #tpu.memory_space<vmem_shared>> -> memref<32768xf32, #tpu.memory_space<vmem_shared>>
    tpu.wait_dma2 semaphore(%arg13 : memref<!tpu.dma_semaphore, #tpu.memory_space<semaphore_mem>>) src(%dma_wait3A_186 : memref<32768xf32, #tpu.memory_space<vmem_shared>>) dst(%dma_wait3A_185 : memref<32768xf32, #tpu.memory_space<hbm>>)
    %barrier3A_187 = arith.constant 0 : index
    tpu.barrier barrier_id(%barrier3A_187)
    "tpu.region"() ({
      %run_scoped3A = tpu.sem_alloc : memref<!tpu.dma_semaphore, #tpu.memory_space<semaphore_mem>>
      %dma_start3A_431 = arith.constant 0 : i32
      %dma_start3A_432 = tpu.memref_slice %arg11[%dma_start3A_431] : memref<525312xf32, #tpu.memory_space<vmem_shared>> -> memref<525312xf32, #tpu.memory_space<vmem_shared>>
      tpu.enqueue_indirect_dma source(%arg9 : memref<6272xf32, #tpu.memory_space<vmem>>) target(%dma_start3A_432 : memref<525312xf32, #tpu.memory_space<vmem_shared>>) offsets(%arg7 : memref<6272xi32, #tpu.memory_space<vmem>>) semaphore(%run_scoped3A : memref<!tpu.dma_semaphore, #tpu.memory_space<semaphore_mem>>) {add = true}
      %dma_wait3A_433 = arith.constant 0 : i32
      %dma_wait3A_434 = tpu.memref_slice %arg11[%dma_wait3A_433] : memref<525312xf32, #tpu.memory_space<vmem_shared>> -> memref<525312xf32, #tpu.memory_space<vmem_shared>>
      tpu.wait_indirect_dma semaphore(%run_scoped3A : memref<!tpu.dma_semaphore, #tpu.memory_space<semaphore_mem>>) src(%arg9 : memref<6272xf32, #tpu.memory_space<vmem>>) dst(%dma_wait3A_434 : memref<525312xf32, #tpu.memory_space<vmem_shared>>)
      tpu.yield
    }) : () -> ()
    %barrier3A_188 = arith.constant 0 : index
    tpu.barrier barrier_id(%barrier3A_188)
    %add3A_189 = arith.constant 0 : i32
    %add3A_190 = arith.addi %mul3A_84, %add3A_189 : i32
    %mul3A_191 = arith.constant 32768 : i32
    %mul3A_192 = arith.muli %arg1, %mul3A_191 : i32
    %add3A_193 = arith.addi %add3A_190, %mul3A_192 : i32
    %mul3A_194 = arith.constant 32768 : i32
    %mul3A_195 = arith.muli %arg1, %mul3A_194 : i32
    %add3A_196 = arith.constant 2097152 : i32
    %add3A_197 = arith.addi %add3A_196, %add3A_193 : i32
    %dma_start3A_198 = tpu.memref_slice %arg4[%add3A_197] : memref<16777216xf32, #tpu.memory_space<hbm>> -> memref<32768xf32, #tpu.memory_space<hbm>>
    %dma_start3A_199 = tpu.memref_slice %arg11[%mul3A_195] : memref<525312xf32, #tpu.memory_space<vmem_shared>> -> memref<32768xf32, #tpu.memory_space<vmem_shared>>
    tpu.enqueue_dma source(%dma_start3A_199 : memref<32768xf32, #tpu.memory_space<vmem_shared>>) target(%dma_start3A_198 : memref<32768xf32, #tpu.memory_space<hbm>>) target_semaphore(%arg13 : memref<!tpu.dma_semaphore, #tpu.memory_space<semaphore_mem>>)
    %dma_wait3A_200 = tpu.memref_slice %arg4[%add3A_176] : memref<16777216xf32, #tpu.memory_space<hbm>> -> memref<32768xf32, #tpu.memory_space<hbm>>
    %dma_wait3A_201 = tpu.memref_slice %arg12[%mul3A_174] : memref<525312xf32, #tpu.memory_space<vmem_shared>> -> memref<32768xf32, #tpu.memory_space<vmem_shared>>
    tpu.wait_dma2 semaphore(%arg14 : memref<!tpu.dma_semaphore, #tpu.memory_space<semaphore_mem>>) src(%dma_wait3A_201 : memref<32768xf32, #tpu.memory_space<vmem_shared>>) dst(%dma_wait3A_200 : memref<32768xf32, #tpu.memory_space<hbm>>)
    %barrier3A_202 = arith.constant 0 : index
    tpu.barrier barrier_id(%barrier3A_202)
    "tpu.region"() ({
      %run_scoped3A = tpu.sem_alloc : memref<!tpu.dma_semaphore, #tpu.memory_space<semaphore_mem>>
      %dma_start3A_431 = arith.constant 0 : i32
      %dma_start3A_432 = tpu.memref_slice %arg12[%dma_start3A_431] : memref<525312xf32, #tpu.memory_space<vmem_shared>> -> memref<525312xf32, #tpu.memory_space<vmem_shared>>
      tpu.enqueue_indirect_dma source(%arg9 : memref<6272xf32, #tpu.memory_space<vmem>>) target(%dma_start3A_432 : memref<525312xf32, #tpu.memory_space<vmem_shared>>) offsets(%arg8 : memref<6272xi32, #tpu.memory_space<vmem>>) semaphore(%run_scoped3A : memref<!tpu.dma_semaphore, #tpu.memory_space<semaphore_mem>>) {add = true}
      %dma_wait3A_433 = arith.constant 0 : i32
      %dma_wait3A_434 = tpu.memref_slice %arg12[%dma_wait3A_433] : memref<525312xf32, #tpu.memory_space<vmem_shared>> -> memref<525312xf32, #tpu.memory_space<vmem_shared>>
      tpu.wait_indirect_dma semaphore(%run_scoped3A : memref<!tpu.dma_semaphore, #tpu.memory_space<semaphore_mem>>) src(%arg9 : memref<6272xf32, #tpu.memory_space<vmem>>) dst(%dma_wait3A_434 : memref<525312xf32, #tpu.memory_space<vmem_shared>>)
      tpu.yield
    }) : () -> ()
    %barrier3A_203 = arith.constant 0 : index
    tpu.barrier barrier_id(%barrier3A_203)
    %add3A_204 = arith.constant 524288 : i32
    %add3A_205 = arith.addi %mul3A_84, %add3A_204 : i32
    %mul3A_206 = arith.constant 32768 : i32
    %mul3A_207 = arith.muli %arg1, %mul3A_206 : i32
    %add3A_208 = arith.addi %add3A_205, %mul3A_207 : i32
    %mul3A_209 = arith.constant 32768 : i32
    %mul3A_210 = arith.muli %arg1, %mul3A_209 : i32
    %add3A_211 = arith.constant 2097152 : i32
    %add3A_212 = arith.addi %add3A_211, %add3A_208 : i32
    %dma_start3A_213 = tpu.memref_slice %arg4[%add3A_212] : memref<16777216xf32, #tpu.memory_space<hbm>> -> memref<32768xf32, #tpu.memory_space<hbm>>
    %dma_start3A_214 = tpu.memref_slice %arg12[%mul3A_210] : memref<525312xf32, #tpu.memory_space<vmem_shared>> -> memref<32768xf32, #tpu.memory_space<vmem_shared>>
    tpu.enqueue_dma source(%dma_start3A_214 : memref<32768xf32, #tpu.memory_space<vmem_shared>>) target(%dma_start3A_213 : memref<32768xf32, #tpu.memory_space<hbm>>) target_semaphore(%arg14 : memref<!tpu.dma_semaphore, #tpu.memory_space<semaphore_mem>>)
    %dma_wait3A_215 = tpu.memref_slice %arg3[%add3A_182] : memref<903168xf32, #tpu.memory_space<hbm>> -> memref<6272xf32, #tpu.memory_space<hbm>>
    %dma_wait3A_216 = tpu.memref_slice %arg3[%add3A_182] : memref<903168xf32, #tpu.memory_space<hbm>> -> memref<6272xf32, #tpu.memory_space<hbm>>
    tpu.wait_dma2 semaphore(%arg15 : memref<!tpu.dma_semaphore, #tpu.memory_space<semaphore_mem>>) src(%dma_wait3A_216 : memref<6272xf32, #tpu.memory_space<hbm>>) dst(%arg10 : memref<6272xf32, #tpu.memory_space<vmem>>)
    %add3A_217 = arith.constant 401408 : i32
    %add3A_218 = arith.addi %add3A_217, %mul3A_0 : i32
    %dma_start3A_219 = tpu.memref_slice %arg3[%add3A_218] : memref<903168xf32, #tpu.memory_space<hbm>> -> memref<6272xf32, #tpu.memory_space<hbm>>
    %dma_start3A_220 = tpu.memref_slice %arg3[%add3A_218] : memref<903168xf32, #tpu.memory_space<hbm>> -> memref<6272xf32, #tpu.memory_space<hbm>>
    tpu.enqueue_dma source(%dma_start3A_220 : memref<6272xf32, #tpu.memory_space<hbm>>) target(%arg9 : memref<6272xf32, #tpu.memory_space<vmem>>) target_semaphore(%arg15 : memref<!tpu.dma_semaphore, #tpu.memory_space<semaphore_mem>>)
    %dma_wait3A_221 = tpu.memref_slice %arg4[%add3A_197] : memref<16777216xf32, #tpu.memory_space<hbm>> -> memref<32768xf32, #tpu.memory_space<hbm>>
    %dma_wait3A_222 = tpu.memref_slice %arg11[%mul3A_195] : memref<525312xf32, #tpu.memory_space<vmem_shared>> -> memref<32768xf32, #tpu.memory_space<vmem_shared>>
    tpu.wait_dma2 semaphore(%arg13 : memref<!tpu.dma_semaphore, #tpu.memory_space<semaphore_mem>>) src(%dma_wait3A_222 : memref<32768xf32, #tpu.memory_space<vmem_shared>>) dst(%dma_wait3A_221 : memref<32768xf32, #tpu.memory_space<hbm>>)
    %barrier3A_223 = arith.constant 0 : index
    tpu.barrier barrier_id(%barrier3A_223)
    "tpu.region"() ({
      %run_scoped3A = tpu.sem_alloc : memref<!tpu.dma_semaphore, #tpu.memory_space<semaphore_mem>>
      %dma_start3A_431 = arith.constant 0 : i32
      %dma_start3A_432 = tpu.memref_slice %arg11[%dma_start3A_431] : memref<525312xf32, #tpu.memory_space<vmem_shared>> -> memref<525312xf32, #tpu.memory_space<vmem_shared>>
      tpu.enqueue_indirect_dma source(%arg10 : memref<6272xf32, #tpu.memory_space<vmem>>) target(%dma_start3A_432 : memref<525312xf32, #tpu.memory_space<vmem_shared>>) offsets(%arg7 : memref<6272xi32, #tpu.memory_space<vmem>>) semaphore(%run_scoped3A : memref<!tpu.dma_semaphore, #tpu.memory_space<semaphore_mem>>) {add = true}
      %dma_wait3A_433 = arith.constant 0 : i32
      %dma_wait3A_434 = tpu.memref_slice %arg11[%dma_wait3A_433] : memref<525312xf32, #tpu.memory_space<vmem_shared>> -> memref<525312xf32, #tpu.memory_space<vmem_shared>>
      tpu.wait_indirect_dma semaphore(%run_scoped3A : memref<!tpu.dma_semaphore, #tpu.memory_space<semaphore_mem>>) src(%arg10 : memref<6272xf32, #tpu.memory_space<vmem>>) dst(%dma_wait3A_434 : memref<525312xf32, #tpu.memory_space<vmem_shared>>)
      tpu.yield
    }) : () -> ()
    %barrier3A_224 = arith.constant 0 : index
    tpu.barrier barrier_id(%barrier3A_224)
    %add3A_225 = arith.constant 0 : i32
    %add3A_226 = arith.addi %mul3A_84, %add3A_225 : i32
    %mul3A_227 = arith.constant 32768 : i32
    %mul3A_228 = arith.muli %arg1, %mul3A_227 : i32
    %add3A_229 = arith.addi %add3A_226, %mul3A_228 : i32
    %mul3A_230 = arith.constant 32768 : i32
    %mul3A_231 = arith.muli %arg1, %mul3A_230 : i32
    %add3A_232 = arith.constant 4194304 : i32
    %add3A_233 = arith.addi %add3A_232, %add3A_229 : i32
    %dma_start3A_234 = tpu.memref_slice %arg4[%add3A_233] : memref<16777216xf32, #tpu.memory_space<hbm>> -> memref<32768xf32, #tpu.memory_space<hbm>>
    %dma_start3A_235 = tpu.memref_slice %arg11[%mul3A_231] : memref<525312xf32, #tpu.memory_space<vmem_shared>> -> memref<32768xf32, #tpu.memory_space<vmem_shared>>
    tpu.enqueue_dma source(%dma_start3A_235 : memref<32768xf32, #tpu.memory_space<vmem_shared>>) target(%dma_start3A_234 : memref<32768xf32, #tpu.memory_space<hbm>>) target_semaphore(%arg13 : memref<!tpu.dma_semaphore, #tpu.memory_space<semaphore_mem>>)
    %dma_wait3A_236 = tpu.memref_slice %arg4[%add3A_212] : memref<16777216xf32, #tpu.memory_space<hbm>> -> memref<32768xf32, #tpu.memory_space<hbm>>
    %dma_wait3A_237 = tpu.memref_slice %arg12[%mul3A_210] : memref<525312xf32, #tpu.memory_space<vmem_shared>> -> memref<32768xf32, #tpu.memory_space<vmem_shared>>
    tpu.wait_dma2 semaphore(%arg14 : memref<!tpu.dma_semaphore, #tpu.memory_space<semaphore_mem>>) src(%dma_wait3A_237 : memref<32768xf32, #tpu.memory_space<vmem_shared>>) dst(%dma_wait3A_236 : memref<32768xf32, #tpu.memory_space<hbm>>)
    %barrier3A_238 = arith.constant 0 : index
    tpu.barrier barrier_id(%barrier3A_238)
    "tpu.region"() ({
      %run_scoped3A = tpu.sem_alloc : memref<!tpu.dma_semaphore, #tpu.memory_space<semaphore_mem>>
      %dma_start3A_431 = arith.constant 0 : i32
      %dma_start3A_432 = tpu.memref_slice %arg12[%dma_start3A_431] : memref<525312xf32, #tpu.memory_space<vmem_shared>> -> memref<525312xf32, #tpu.memory_space<vmem_shared>>
      tpu.enqueue_indirect_dma source(%arg10 : memref<6272xf32, #tpu.memory_space<vmem>>) target(%dma_start3A_432 : memref<525312xf32, #tpu.memory_space<vmem_shared>>) offsets(%arg8 : memref<6272xi32, #tpu.memory_space<vmem>>) semaphore(%run_scoped3A : memref<!tpu.dma_semaphore, #tpu.memory_space<semaphore_mem>>) {add = true}
      %dma_wait3A_433 = arith.constant 0 : i32
      %dma_wait3A_434 = tpu.memref_slice %arg12[%dma_wait3A_433] : memref<525312xf32, #tpu.memory_space<vmem_shared>> -> memref<525312xf32, #tpu.memory_space<vmem_shared>>
      tpu.wait_indirect_dma semaphore(%run_scoped3A : memref<!tpu.dma_semaphore, #tpu.memory_space<semaphore_mem>>) src(%arg10 : memref<6272xf32, #tpu.memory_space<vmem>>) dst(%dma_wait3A_434 : memref<525312xf32, #tpu.memory_space<vmem_shared>>)
      tpu.yield
    }) : () -> ()
    %barrier3A_239 = arith.constant 0 : index
    tpu.barrier barrier_id(%barrier3A_239)
    %add3A_240 = arith.constant 524288 : i32
    %add3A_241 = arith.addi %mul3A_84, %add3A_240 : i32
    %mul3A_242 = arith.constant 32768 : i32
    %mul3A_243 = arith.muli %arg1, %mul3A_242 : i32
    %add3A_244 = arith.addi %add3A_241, %mul3A_243 : i32
    %mul3A_245 = arith.constant 32768 : i32
    %mul3A_246 = arith.muli %arg1, %mul3A_245 : i32
    %add3A_247 = arith.constant 4194304 : i32
    %add3A_248 = arith.addi %add3A_247, %add3A_244 : i32
    %dma_start3A_249 = tpu.memref_slice %arg4[%add3A_248] : memref<16777216xf32, #tpu.memory_space<hbm>> -> memref<32768xf32, #tpu.memory_space<hbm>>
    %dma_start3A_250 = tpu.memref_slice %arg12[%mul3A_246] : memref<525312xf32, #tpu.memory_space<vmem_shared>> -> memref<32768xf32, #tpu.memory_space<vmem_shared>>
    tpu.enqueue_dma source(%dma_start3A_250 : memref<32768xf32, #tpu.memory_space<vmem_shared>>) target(%dma_start3A_249 : memref<32768xf32, #tpu.memory_space<hbm>>) target_semaphore(%arg14 : memref<!tpu.dma_semaphore, #tpu.memory_space<semaphore_mem>>)
    %dma_wait3A_251 = tpu.memref_slice %arg3[%add3A_218] : memref<903168xf32, #tpu.memory_space<hbm>> -> memref<6272xf32, #tpu.memory_space<hbm>>
    %dma_wait3A_252 = tpu.memref_slice %arg3[%add3A_218] : memref<903168xf32, #tpu.memory_space<hbm>> -> memref<6272xf32, #tpu.memory_space<hbm>>
    tpu.wait_dma2 semaphore(%arg15 : memref<!tpu.dma_semaphore, #tpu.memory_space<semaphore_mem>>) src(%dma_wait3A_252 : memref<6272xf32, #tpu.memory_space<hbm>>) dst(%arg9 : memref<6272xf32, #tpu.memory_space<vmem>>)
    %add3A_253 = arith.constant 501760 : i32
    %add3A_254 = arith.addi %add3A_253, %mul3A_0 : i32
    %dma_start3A_255 = tpu.memref_slice %arg3[%add3A_254] : memref<903168xf32, #tpu.memory_space<hbm>> -> memref<6272xf32, #tpu.memory_space<hbm>>
    %dma_start3A_256 = tpu.memref_slice %arg3[%add3A_254] : memref<903168xf32, #tpu.memory_space<hbm>> -> memref<6272xf32, #tpu.memory_space<hbm>>
    tpu.enqueue_dma source(%dma_start3A_256 : memref<6272xf32, #tpu.memory_space<hbm>>) target(%arg10 : memref<6272xf32, #tpu.memory_space<vmem>>) target_semaphore(%arg15 : memref<!tpu.dma_semaphore, #tpu.memory_space<semaphore_mem>>)
    %dma_wait3A_257 = tpu.memref_slice %arg4[%add3A_233] : memref<16777216xf32, #tpu.memory_space<hbm>> -> memref<32768xf32, #tpu.memory_space<hbm>>
    %dma_wait3A_258 = tpu.memref_slice %arg11[%mul3A_231] : memref<525312xf32, #tpu.memory_space<vmem_shared>> -> memref<32768xf32, #tpu.memory_space<vmem_shared>>
    tpu.wait_dma2 semaphore(%arg13 : memref<!tpu.dma_semaphore, #tpu.memory_space<semaphore_mem>>) src(%dma_wait3A_258 : memref<32768xf32, #tpu.memory_space<vmem_shared>>) dst(%dma_wait3A_257 : memref<32768xf32, #tpu.memory_space<hbm>>)
    %barrier3A_259 = arith.constant 0 : index
    tpu.barrier barrier_id(%barrier3A_259)
    "tpu.region"() ({
      %run_scoped3A = tpu.sem_alloc : memref<!tpu.dma_semaphore, #tpu.memory_space<semaphore_mem>>
      %dma_start3A_431 = arith.constant 0 : i32
      %dma_start3A_432 = tpu.memref_slice %arg11[%dma_start3A_431] : memref<525312xf32, #tpu.memory_space<vmem_shared>> -> memref<525312xf32, #tpu.memory_space<vmem_shared>>
      tpu.enqueue_indirect_dma source(%arg9 : memref<6272xf32, #tpu.memory_space<vmem>>) target(%dma_start3A_432 : memref<525312xf32, #tpu.memory_space<vmem_shared>>) offsets(%arg7 : memref<6272xi32, #tpu.memory_space<vmem>>) semaphore(%run_scoped3A : memref<!tpu.dma_semaphore, #tpu.memory_space<semaphore_mem>>) {add = true}
      %dma_wait3A_433 = arith.constant 0 : i32
      %dma_wait3A_434 = tpu.memref_slice %arg11[%dma_wait3A_433] : memref<525312xf32, #tpu.memory_space<vmem_shared>> -> memref<525312xf32, #tpu.memory_space<vmem_shared>>
      tpu.wait_indirect_dma semaphore(%run_scoped3A : memref<!tpu.dma_semaphore, #tpu.memory_space<semaphore_mem>>) src(%arg9 : memref<6272xf32, #tpu.memory_space<vmem>>) dst(%dma_wait3A_434 : memref<525312xf32, #tpu.memory_space<vmem_shared>>)
      tpu.yield
    }) : () -> ()
    %barrier3A_260 = arith.constant 0 : index
    tpu.barrier barrier_id(%barrier3A_260)
    %add3A_261 = arith.constant 0 : i32
    %add3A_262 = arith.addi %mul3A_84, %add3A_261 : i32
    %mul3A_263 = arith.constant 32768 : i32
    %mul3A_264 = arith.muli %arg1, %mul3A_263 : i32
    %add3A_265 = arith.addi %add3A_262, %mul3A_264 : i32
    %mul3A_266 = arith.constant 32768 : i32
    %mul3A_267 = arith.muli %arg1, %mul3A_266 : i32
    %add3A_268 = arith.constant 6291456 : i32
    %add3A_269 = arith.addi %add3A_268, %add3A_265 : i32
    %dma_start3A_270 = tpu.memref_slice %arg4[%add3A_269] : memref<16777216xf32, #tpu.memory_space<hbm>> -> memref<32768xf32, #tpu.memory_space<hbm>>
    %dma_start3A_271 = tpu.memref_slice %arg11[%mul3A_267] : memref<525312xf32, #tpu.memory_space<vmem_shared>> -> memref<32768xf32, #tpu.memory_space<vmem_shared>>
    tpu.enqueue_dma source(%dma_start3A_271 : memref<32768xf32, #tpu.memory_space<vmem_shared>>) target(%dma_start3A_270 : memref<32768xf32, #tpu.memory_space<hbm>>) target_semaphore(%arg13 : memref<!tpu.dma_semaphore, #tpu.memory_space<semaphore_mem>>)
    %dma_wait3A_272 = tpu.memref_slice %arg4[%add3A_248] : memref<16777216xf32, #tpu.memory_space<hbm>> -> memref<32768xf32, #tpu.memory_space<hbm>>
    %dma_wait3A_273 = tpu.memref_slice %arg12[%mul3A_246] : memref<525312xf32, #tpu.memory_space<vmem_shared>> -> memref<32768xf32, #tpu.memory_space<vmem_shared>>
    tpu.wait_dma2 semaphore(%arg14 : memref<!tpu.dma_semaphore, #tpu.memory_space<semaphore_mem>>) src(%dma_wait3A_273 : memref<32768xf32, #tpu.memory_space<vmem_shared>>) dst(%dma_wait3A_272 : memref<32768xf32, #tpu.memory_space<hbm>>)
    %barrier3A_274 = arith.constant 0 : index
    tpu.barrier barrier_id(%barrier3A_274)
    "tpu.region"() ({
      %run_scoped3A = tpu.sem_alloc : memref<!tpu.dma_semaphore, #tpu.memory_space<semaphore_mem>>
      %dma_start3A_431 = arith.constant 0 : i32
      %dma_start3A_432 = tpu.memref_slice %arg12[%dma_start3A_431] : memref<525312xf32, #tpu.memory_space<vmem_shared>> -> memref<525312xf32, #tpu.memory_space<vmem_shared>>
      tpu.enqueue_indirect_dma source(%arg9 : memref<6272xf32, #tpu.memory_space<vmem>>) target(%dma_start3A_432 : memref<525312xf32, #tpu.memory_space<vmem_shared>>) offsets(%arg8 : memref<6272xi32, #tpu.memory_space<vmem>>) semaphore(%run_scoped3A : memref<!tpu.dma_semaphore, #tpu.memory_space<semaphore_mem>>) {add = true}
      %dma_wait3A_433 = arith.constant 0 : i32
      %dma_wait3A_434 = tpu.memref_slice %arg12[%dma_wait3A_433] : memref<525312xf32, #tpu.memory_space<vmem_shared>> -> memref<525312xf32, #tpu.memory_space<vmem_shared>>
      tpu.wait_indirect_dma semaphore(%run_scoped3A : memref<!tpu.dma_semaphore, #tpu.memory_space<semaphore_mem>>) src(%arg9 : memref<6272xf32, #tpu.memory_space<vmem>>) dst(%dma_wait3A_434 : memref<525312xf32, #tpu.memory_space<vmem_shared>>)
      tpu.yield
    }) : () -> ()
    %barrier3A_275 = arith.constant 0 : index
    tpu.barrier barrier_id(%barrier3A_275)
    %add3A_276 = arith.constant 524288 : i32
    %add3A_277 = arith.addi %mul3A_84, %add3A_276 : i32
    %mul3A_278 = arith.constant 32768 : i32
    %mul3A_279 = arith.muli %arg1, %mul3A_278 : i32
    %add3A_280 = arith.addi %add3A_277, %mul3A_279 : i32
    %mul3A_281 = arith.constant 32768 : i32
    %mul3A_282 = arith.muli %arg1, %mul3A_281 : i32
    %add3A_283 = arith.constant 6291456 : i32
    %add3A_284 = arith.addi %add3A_283, %add3A_280 : i32
    %dma_start3A_285 = tpu.memref_slice %arg4[%add3A_284] : memref<16777216xf32, #tpu.memory_space<hbm>> -> memref<32768xf32, #tpu.memory_space<hbm>>
    %dma_start3A_286 = tpu.memref_slice %arg12[%mul3A_282] : memref<525312xf32, #tpu.memory_space<vmem_shared>> -> memref<32768xf32, #tpu.memory_space<vmem_shared>>
    tpu.enqueue_dma source(%dma_start3A_286 : memref<32768xf32, #tpu.memory_space<vmem_shared>>) target(%dma_start3A_285 : memref<32768xf32, #tpu.memory_space<hbm>>) target_semaphore(%arg14 : memref<!tpu.dma_semaphore, #tpu.memory_space<semaphore_mem>>)
    %dma_wait3A_287 = tpu.memref_slice %arg3[%add3A_254] : memref<903168xf32, #tpu.memory_space<hbm>> -> memref<6272xf32, #tpu.memory_space<hbm>>
    %dma_wait3A_288 = tpu.memref_slice %arg3[%add3A_254] : memref<903168xf32, #tpu.memory_space<hbm>> -> memref<6272xf32, #tpu.memory_space<hbm>>
    tpu.wait_dma2 semaphore(%arg15 : memref<!tpu.dma_semaphore, #tpu.memory_space<semaphore_mem>>) src(%dma_wait3A_288 : memref<6272xf32, #tpu.memory_space<hbm>>) dst(%arg10 : memref<6272xf32, #tpu.memory_space<vmem>>)
    %add3A_289 = arith.constant 602112 : i32
    %add3A_290 = arith.addi %add3A_289, %mul3A_0 : i32
    %dma_start3A_291 = tpu.memref_slice %arg3[%add3A_290] : memref<903168xf32, #tpu.memory_space<hbm>> -> memref<6272xf32, #tpu.memory_space<hbm>>
    %dma_start3A_292 = tpu.memref_slice %arg3[%add3A_290] : memref<903168xf32, #tpu.memory_space<hbm>> -> memref<6272xf32, #tpu.memory_space<hbm>>
    tpu.enqueue_dma source(%dma_start3A_292 : memref<6272xf32, #tpu.memory_space<hbm>>) target(%arg9 : memref<6272xf32, #tpu.memory_space<vmem>>) target_semaphore(%arg15 : memref<!tpu.dma_semaphore, #tpu.memory_space<semaphore_mem>>)
    %dma_wait3A_293 = tpu.memref_slice %arg4[%add3A_269] : memref<16777216xf32, #tpu.memory_space<hbm>> -> memref<32768xf32, #tpu.memory_space<hbm>>
    %dma_wait3A_294 = tpu.memref_slice %arg11[%mul3A_267] : memref<525312xf32, #tpu.memory_space<vmem_shared>> -> memref<32768xf32, #tpu.memory_space<vmem_shared>>
    tpu.wait_dma2 semaphore(%arg13 : memref<!tpu.dma_semaphore, #tpu.memory_space<semaphore_mem>>) src(%dma_wait3A_294 : memref<32768xf32, #tpu.memory_space<vmem_shared>>) dst(%dma_wait3A_293 : memref<32768xf32, #tpu.memory_space<hbm>>)
    %barrier3A_295 = arith.constant 0 : index
    tpu.barrier barrier_id(%barrier3A_295)
    "tpu.region"() ({
      %run_scoped3A = tpu.sem_alloc : memref<!tpu.dma_semaphore, #tpu.memory_space<semaphore_mem>>
      %dma_start3A_431 = arith.constant 0 : i32
      %dma_start3A_432 = tpu.memref_slice %arg11[%dma_start3A_431] : memref<525312xf32, #tpu.memory_space<vmem_shared>> -> memref<525312xf32, #tpu.memory_space<vmem_shared>>
      tpu.enqueue_indirect_dma source(%arg10 : memref<6272xf32, #tpu.memory_space<vmem>>) target(%dma_start3A_432 : memref<525312xf32, #tpu.memory_space<vmem_shared>>) offsets(%arg7 : memref<6272xi32, #tpu.memory_space<vmem>>) semaphore(%run_scoped3A : memref<!tpu.dma_semaphore, #tpu.memory_space<semaphore_mem>>) {add = true}
      %dma_wait3A_433 = arith.constant 0 : i32
      %dma_wait3A_434 = tpu.memref_slice %arg11[%dma_wait3A_433] : memref<525312xf32, #tpu.memory_space<vmem_shared>> -> memref<525312xf32, #tpu.memory_space<vmem_shared>>
      tpu.wait_indirect_dma semaphore(%run_scoped3A : memref<!tpu.dma_semaphore, #tpu.memory_space<semaphore_mem>>) src(%arg10 : memref<6272xf32, #tpu.memory_space<vmem>>) dst(%dma_wait3A_434 : memref<525312xf32, #tpu.memory_space<vmem_shared>>)
      tpu.yield
    }) : () -> ()
    %barrier3A_296 = arith.constant 0 : index
    tpu.barrier barrier_id(%barrier3A_296)
    %add3A_297 = arith.constant 0 : i32
    %add3A_298 = arith.addi %mul3A_84, %add3A_297 : i32
    %mul3A_299 = arith.constant 32768 : i32
    %mul3A_300 = arith.muli %arg1, %mul3A_299 : i32
    %add3A_301 = arith.addi %add3A_298, %mul3A_300 : i32
    %mul3A_302 = arith.constant 32768 : i32
    %mul3A_303 = arith.muli %arg1, %mul3A_302 : i32
    %add3A_304 = arith.constant 8388608 : i32
    %add3A_305 = arith.addi %add3A_304, %add3A_301 : i32
    %dma_start3A_306 = tpu.memref_slice %arg4[%add3A_305] : memref<16777216xf32, #tpu.memory_space<hbm>> -> memref<32768xf32, #tpu.memory_space<hbm>>
    %dma_start3A_307 = tpu.memref_slice %arg11[%mul3A_303] : memref<525312xf32, #tpu.memory_space<vmem_shared>> -> memref<32768xf32, #tpu.memory_space<vmem_shared>>
    tpu.enqueue_dma source(%dma_start3A_307 : memref<32768xf32, #tpu.memory_space<vmem_shared>>) target(%dma_start3A_306 : memref<32768xf32, #tpu.memory_space<hbm>>) target_semaphore(%arg13 : memref<!tpu.dma_semaphore, #tpu.memory_space<semaphore_mem>>)
    %dma_wait3A_308 = tpu.memref_slice %arg4[%add3A_284] : memref<16777216xf32, #tpu.memory_space<hbm>> -> memref<32768xf32, #tpu.memory_space<hbm>>
    %dma_wait3A_309 = tpu.memref_slice %arg12[%mul3A_282] : memref<525312xf32, #tpu.memory_space<vmem_shared>> -> memref<32768xf32, #tpu.memory_space<vmem_shared>>
    tpu.wait_dma2 semaphore(%arg14 : memref<!tpu.dma_semaphore, #tpu.memory_space<semaphore_mem>>) src(%dma_wait3A_309 : memref<32768xf32, #tpu.memory_space<vmem_shared>>) dst(%dma_wait3A_308 : memref<32768xf32, #tpu.memory_space<hbm>>)
    %barrier3A_310 = arith.constant 0 : index
    tpu.barrier barrier_id(%barrier3A_310)
    "tpu.region"() ({
      %run_scoped3A = tpu.sem_alloc : memref<!tpu.dma_semaphore, #tpu.memory_space<semaphore_mem>>
      %dma_start3A_431 = arith.constant 0 : i32
      %dma_start3A_432 = tpu.memref_slice %arg12[%dma_start3A_431] : memref<525312xf32, #tpu.memory_space<vmem_shared>> -> memref<525312xf32, #tpu.memory_space<vmem_shared>>
      tpu.enqueue_indirect_dma source(%arg10 : memref<6272xf32, #tpu.memory_space<vmem>>) target(%dma_start3A_432 : memref<525312xf32, #tpu.memory_space<vmem_shared>>) offsets(%arg8 : memref<6272xi32, #tpu.memory_space<vmem>>) semaphore(%run_scoped3A : memref<!tpu.dma_semaphore, #tpu.memory_space<semaphore_mem>>) {add = true}
      %dma_wait3A_433 = arith.constant 0 : i32
      %dma_wait3A_434 = tpu.memref_slice %arg12[%dma_wait3A_433] : memref<525312xf32, #tpu.memory_space<vmem_shared>> -> memref<525312xf32, #tpu.memory_space<vmem_shared>>
      tpu.wait_indirect_dma semaphore(%run_scoped3A : memref<!tpu.dma_semaphore, #tpu.memory_space<semaphore_mem>>) src(%arg10 : memref<6272xf32, #tpu.memory_space<vmem>>) dst(%dma_wait3A_434 : memref<525312xf32, #tpu.memory_space<vmem_shared>>)
      tpu.yield
    }) : () -> ()
    %barrier3A_311 = arith.constant 0 : index
    tpu.barrier barrier_id(%barrier3A_311)
    %add3A_312 = arith.constant 524288 : i32
    %add3A_313 = arith.addi %mul3A_84, %add3A_312 : i32
    %mul3A_314 = arith.constant 32768 : i32
    %mul3A_315 = arith.muli %arg1, %mul3A_314 : i32
    %add3A_316 = arith.addi %add3A_313, %mul3A_315 : i32
    %mul3A_317 = arith.constant 32768 : i32
    %mul3A_318 = arith.muli %arg1, %mul3A_317 : i32
    %add3A_319 = arith.constant 8388608 : i32
    %add3A_320 = arith.addi %add3A_319, %add3A_316 : i32
    %dma_start3A_321 = tpu.memref_slice %arg4[%add3A_320] : memref<16777216xf32, #tpu.memory_space<hbm>> -> memref<32768xf32, #tpu.memory_space<hbm>>
    %dma_start3A_322 = tpu.memref_slice %arg12[%mul3A_318] : memref<525312xf32, #tpu.memory_space<vmem_shared>> -> memref<32768xf32, #tpu.memory_space<vmem_shared>>
    tpu.enqueue_dma source(%dma_start3A_322 : memref<32768xf32, #tpu.memory_space<vmem_shared>>) target(%dma_start3A_321 : memref<32768xf32, #tpu.memory_space<hbm>>) target_semaphore(%arg14 : memref<!tpu.dma_semaphore, #tpu.memory_space<semaphore_mem>>)
    %dma_wait3A_323 = tpu.memref_slice %arg3[%add3A_290] : memref<903168xf32, #tpu.memory_space<hbm>> -> memref<6272xf32, #tpu.memory_space<hbm>>
    %dma_wait3A_324 = tpu.memref_slice %arg3[%add3A_290] : memref<903168xf32, #tpu.memory_space<hbm>> -> memref<6272xf32, #tpu.memory_space<hbm>>
    tpu.wait_dma2 semaphore(%arg15 : memref<!tpu.dma_semaphore, #tpu.memory_space<semaphore_mem>>) src(%dma_wait3A_324 : memref<6272xf32, #tpu.memory_space<hbm>>) dst(%arg9 : memref<6272xf32, #tpu.memory_space<vmem>>)
    %add3A_325 = arith.constant 702464 : i32
    %add3A_326 = arith.addi %add3A_325, %mul3A_0 : i32
    %dma_start3A_327 = tpu.memref_slice %arg3[%add3A_326] : memref<903168xf32, #tpu.memory_space<hbm>> -> memref<6272xf32, #tpu.memory_space<hbm>>
    %dma_start3A_328 = tpu.memref_slice %arg3[%add3A_326] : memref<903168xf32, #tpu.memory_space<hbm>> -> memref<6272xf32, #tpu.memory_space<hbm>>
    tpu.enqueue_dma source(%dma_start3A_328 : memref<6272xf32, #tpu.memory_space<hbm>>) target(%arg10 : memref<6272xf32, #tpu.memory_space<vmem>>) target_semaphore(%arg15 : memref<!tpu.dma_semaphore, #tpu.memory_space<semaphore_mem>>)
    %dma_wait3A_329 = tpu.memref_slice %arg4[%add3A_305] : memref<16777216xf32, #tpu.memory_space<hbm>> -> memref<32768xf32, #tpu.memory_space<hbm>>
    %dma_wait3A_330 = tpu.memref_slice %arg11[%mul3A_303] : memref<525312xf32, #tpu.memory_space<vmem_shared>> -> memref<32768xf32, #tpu.memory_space<vmem_shared>>
    tpu.wait_dma2 semaphore(%arg13 : memref<!tpu.dma_semaphore, #tpu.memory_space<semaphore_mem>>) src(%dma_wait3A_330 : memref<32768xf32, #tpu.memory_space<vmem_shared>>) dst(%dma_wait3A_329 : memref<32768xf32, #tpu.memory_space<hbm>>)
    %barrier3A_331 = arith.constant 0 : index
    tpu.barrier barrier_id(%barrier3A_331)
    "tpu.region"() ({
      %run_scoped3A = tpu.sem_alloc : memref<!tpu.dma_semaphore, #tpu.memory_space<semaphore_mem>>
      %dma_start3A_431 = arith.constant 0 : i32
      %dma_start3A_432 = tpu.memref_slice %arg11[%dma_start3A_431] : memref<525312xf32, #tpu.memory_space<vmem_shared>> -> memref<525312xf32, #tpu.memory_space<vmem_shared>>
      tpu.enqueue_indirect_dma source(%arg9 : memref<6272xf32, #tpu.memory_space<vmem>>) target(%dma_start3A_432 : memref<525312xf32, #tpu.memory_space<vmem_shared>>) offsets(%arg7 : memref<6272xi32, #tpu.memory_space<vmem>>) semaphore(%run_scoped3A : memref<!tpu.dma_semaphore, #tpu.memory_space<semaphore_mem>>) {add = true}
      %dma_wait3A_433 = arith.constant 0 : i32
      %dma_wait3A_434 = tpu.memref_slice %arg11[%dma_wait3A_433] : memref<525312xf32, #tpu.memory_space<vmem_shared>> -> memref<525312xf32, #tpu.memory_space<vmem_shared>>
      tpu.wait_indirect_dma semaphore(%run_scoped3A : memref<!tpu.dma_semaphore, #tpu.memory_space<semaphore_mem>>) src(%arg9 : memref<6272xf32, #tpu.memory_space<vmem>>) dst(%dma_wait3A_434 : memref<525312xf32, #tpu.memory_space<vmem_shared>>)
      tpu.yield
    }) : () -> ()
    %barrier3A_332 = arith.constant 0 : index
    tpu.barrier barrier_id(%barrier3A_332)
    %add3A_333 = arith.constant 0 : i32
    %add3A_334 = arith.addi %mul3A_84, %add3A_333 : i32
    %mul3A_335 = arith.constant 32768 : i32
    %mul3A_336 = arith.muli %arg1, %mul3A_335 : i32
    %add3A_337 = arith.addi %add3A_334, %mul3A_336 : i32
    %mul3A_338 = arith.constant 32768 : i32
    %mul3A_339 = arith.muli %arg1, %mul3A_338 : i32
    %add3A_340 = arith.constant 10485760 : i32
    %add3A_341 = arith.addi %add3A_340, %add3A_337 : i32
    %dma_start3A_342 = tpu.memref_slice %arg4[%add3A_341] : memref<16777216xf32, #tpu.memory_space<hbm>> -> memref<32768xf32, #tpu.memory_space<hbm>>
    %dma_start3A_343 = tpu.memref_slice %arg11[%mul3A_339] : memref<525312xf32, #tpu.memory_space<vmem_shared>> -> memref<32768xf32, #tpu.memory_space<vmem_shared>>
    tpu.enqueue_dma source(%dma_start3A_343 : memref<32768xf32, #tpu.memory_space<vmem_shared>>) target(%dma_start3A_342 : memref<32768xf32, #tpu.memory_space<hbm>>) target_semaphore(%arg13 : memref<!tpu.dma_semaphore, #tpu.memory_space<semaphore_mem>>)
    %dma_wait3A_344 = tpu.memref_slice %arg4[%add3A_320] : memref<16777216xf32, #tpu.memory_space<hbm>> -> memref<32768xf32, #tpu.memory_space<hbm>>
    %dma_wait3A_345 = tpu.memref_slice %arg12[%mul3A_318] : memref<525312xf32, #tpu.memory_space<vmem_shared>> -> memref<32768xf32, #tpu.memory_space<vmem_shared>>
    tpu.wait_dma2 semaphore(%arg14 : memref<!tpu.dma_semaphore, #tpu.memory_space<semaphore_mem>>) src(%dma_wait3A_345 : memref<32768xf32, #tpu.memory_space<vmem_shared>>) dst(%dma_wait3A_344 : memref<32768xf32, #tpu.memory_space<hbm>>)
    %barrier3A_346 = arith.constant 0 : index
    tpu.barrier barrier_id(%barrier3A_346)
    "tpu.region"() ({
      %run_scoped3A = tpu.sem_alloc : memref<!tpu.dma_semaphore, #tpu.memory_space<semaphore_mem>>
      %dma_start3A_431 = arith.constant 0 : i32
      %dma_start3A_432 = tpu.memref_slice %arg12[%dma_start3A_431] : memref<525312xf32, #tpu.memory_space<vmem_shared>> -> memref<525312xf32, #tpu.memory_space<vmem_shared>>
      tpu.enqueue_indirect_dma source(%arg9 : memref<6272xf32, #tpu.memory_space<vmem>>) target(%dma_start3A_432 : memref<525312xf32, #tpu.memory_space<vmem_shared>>) offsets(%arg8 : memref<6272xi32, #tpu.memory_space<vmem>>) semaphore(%run_scoped3A : memref<!tpu.dma_semaphore, #tpu.memory_space<semaphore_mem>>) {add = true}
      %dma_wait3A_433 = arith.constant 0 : i32
      %dma_wait3A_434 = tpu.memref_slice %arg12[%dma_wait3A_433] : memref<525312xf32, #tpu.memory_space<vmem_shared>> -> memref<525312xf32, #tpu.memory_space<vmem_shared>>
      tpu.wait_indirect_dma semaphore(%run_scoped3A : memref<!tpu.dma_semaphore, #tpu.memory_space<semaphore_mem>>) src(%arg9 : memref<6272xf32, #tpu.memory_space<vmem>>) dst(%dma_wait3A_434 : memref<525312xf32, #tpu.memory_space<vmem_shared>>)
      tpu.yield
    }) : () -> ()
    %barrier3A_347 = arith.constant 0 : index
    tpu.barrier barrier_id(%barrier3A_347)
    %add3A_348 = arith.constant 524288 : i32
    %add3A_349 = arith.addi %mul3A_84, %add3A_348 : i32
    %mul3A_350 = arith.constant 32768 : i32
    %mul3A_351 = arith.muli %arg1, %mul3A_350 : i32
    %add3A_352 = arith.addi %add3A_349, %mul3A_351 : i32
    %mul3A_353 = arith.constant 32768 : i32
    %mul3A_354 = arith.muli %arg1, %mul3A_353 : i32
    %add3A_355 = arith.constant 10485760 : i32
    %add3A_356 = arith.addi %add3A_355, %add3A_352 : i32
    %dma_start3A_357 = tpu.memref_slice %arg4[%add3A_356] : memref<16777216xf32, #tpu.memory_space<hbm>> -> memref<32768xf32, #tpu.memory_space<hbm>>
    %dma_start3A_358 = tpu.memref_slice %arg12[%mul3A_354] : memref<525312xf32, #tpu.memory_space<vmem_shared>> -> memref<32768xf32, #tpu.memory_space<vmem_shared>>
    tpu.enqueue_dma source(%dma_start3A_358 : memref<32768xf32, #tpu.memory_space<vmem_shared>>) target(%dma_start3A_357 : memref<32768xf32, #tpu.memory_space<hbm>>) target_semaphore(%arg14 : memref<!tpu.dma_semaphore, #tpu.memory_space<semaphore_mem>>)
    %dma_wait3A_359 = tpu.memref_slice %arg3[%add3A_326] : memref<903168xf32, #tpu.memory_space<hbm>> -> memref<6272xf32, #tpu.memory_space<hbm>>
    %dma_wait3A_360 = tpu.memref_slice %arg3[%add3A_326] : memref<903168xf32, #tpu.memory_space<hbm>> -> memref<6272xf32, #tpu.memory_space<hbm>>
    tpu.wait_dma2 semaphore(%arg15 : memref<!tpu.dma_semaphore, #tpu.memory_space<semaphore_mem>>) src(%dma_wait3A_360 : memref<6272xf32, #tpu.memory_space<hbm>>) dst(%arg10 : memref<6272xf32, #tpu.memory_space<vmem>>)
    %add3A_361 = arith.constant 802816 : i32
    %add3A_362 = arith.addi %add3A_361, %mul3A_0 : i32
    %dma_start3A_363 = tpu.memref_slice %arg3[%add3A_362] : memref<903168xf32, #tpu.memory_space<hbm>> -> memref<6272xf32, #tpu.memory_space<hbm>>
    %dma_start3A_364 = tpu.memref_slice %arg3[%add3A_362] : memref<903168xf32, #tpu.memory_space<hbm>> -> memref<6272xf32, #tpu.memory_space<hbm>>
    tpu.enqueue_dma source(%dma_start3A_364 : memref<6272xf32, #tpu.memory_space<hbm>>) target(%arg9 : memref<6272xf32, #tpu.memory_space<vmem>>) target_semaphore(%arg15 : memref<!tpu.dma_semaphore, #tpu.memory_space<semaphore_mem>>)
    %dma_wait3A_365 = tpu.memref_slice %arg4[%add3A_341] : memref<16777216xf32, #tpu.memory_space<hbm>> -> memref<32768xf32, #tpu.memory_space<hbm>>
    %dma_wait3A_366 = tpu.memref_slice %arg11[%mul3A_339] : memref<525312xf32, #tpu.memory_space<vmem_shared>> -> memref<32768xf32, #tpu.memory_space<vmem_shared>>
    tpu.wait_dma2 semaphore(%arg13 : memref<!tpu.dma_semaphore, #tpu.memory_space<semaphore_mem>>) src(%dma_wait3A_366 : memref<32768xf32, #tpu.memory_space<vmem_shared>>) dst(%dma_wait3A_365 : memref<32768xf32, #tpu.memory_space<hbm>>)
    %barrier3A_367 = arith.constant 0 : index
    tpu.barrier barrier_id(%barrier3A_367)
    "tpu.region"() ({
      %run_scoped3A = tpu.sem_alloc : memref<!tpu.dma_semaphore, #tpu.memory_space<semaphore_mem>>
      %dma_start3A_431 = arith.constant 0 : i32
      %dma_start3A_432 = tpu.memref_slice %arg11[%dma_start3A_431] : memref<525312xf32, #tpu.memory_space<vmem_shared>> -> memref<525312xf32, #tpu.memory_space<vmem_shared>>
      tpu.enqueue_indirect_dma source(%arg10 : memref<6272xf32, #tpu.memory_space<vmem>>) target(%dma_start3A_432 : memref<525312xf32, #tpu.memory_space<vmem_shared>>) offsets(%arg7 : memref<6272xi32, #tpu.memory_space<vmem>>) semaphore(%run_scoped3A : memref<!tpu.dma_semaphore, #tpu.memory_space<semaphore_mem>>) {add = true}
      %dma_wait3A_433 = arith.constant 0 : i32
      %dma_wait3A_434 = tpu.memref_slice %arg11[%dma_wait3A_433] : memref<525312xf32, #tpu.memory_space<vmem_shared>> -> memref<525312xf32, #tpu.memory_space<vmem_shared>>
      tpu.wait_indirect_dma semaphore(%run_scoped3A : memref<!tpu.dma_semaphore, #tpu.memory_space<semaphore_mem>>) src(%arg10 : memref<6272xf32, #tpu.memory_space<vmem>>) dst(%dma_wait3A_434 : memref<525312xf32, #tpu.memory_space<vmem_shared>>)
      tpu.yield
    }) : () -> ()
    %barrier3A_368 = arith.constant 0 : index
    tpu.barrier barrier_id(%barrier3A_368)
    %add3A_369 = arith.constant 0 : i32
    %add3A_370 = arith.addi %mul3A_84, %add3A_369 : i32
    %mul3A_371 = arith.constant 32768 : i32
    %mul3A_372 = arith.muli %arg1, %mul3A_371 : i32
    %add3A_373 = arith.addi %add3A_370, %mul3A_372 : i32
    %mul3A_374 = arith.constant 32768 : i32
    %mul3A_375 = arith.muli %arg1, %mul3A_374 : i32
    %add3A_376 = arith.constant 12582912 : i32
    %add3A_377 = arith.addi %add3A_376, %add3A_373 : i32
    %dma_start3A_378 = tpu.memref_slice %arg4[%add3A_377] : memref<16777216xf32, #tpu.memory_space<hbm>> -> memref<32768xf32, #tpu.memory_space<hbm>>
    %dma_start3A_379 = tpu.memref_slice %arg11[%mul3A_375] : memref<525312xf32, #tpu.memory_space<vmem_shared>> -> memref<32768xf32, #tpu.memory_space<vmem_shared>>
    tpu.enqueue_dma source(%dma_start3A_379 : memref<32768xf32, #tpu.memory_space<vmem_shared>>) target(%dma_start3A_378 : memref<32768xf32, #tpu.memory_space<hbm>>) target_semaphore(%arg13 : memref<!tpu.dma_semaphore, #tpu.memory_space<semaphore_mem>>)
    %dma_wait3A_380 = tpu.memref_slice %arg4[%add3A_356] : memref<16777216xf32, #tpu.memory_space<hbm>> -> memref<32768xf32, #tpu.memory_space<hbm>>
    %dma_wait3A_381 = tpu.memref_slice %arg12[%mul3A_354] : memref<525312xf32, #tpu.memory_space<vmem_shared>> -> memref<32768xf32, #tpu.memory_space<vmem_shared>>
    tpu.wait_dma2 semaphore(%arg14 : memref<!tpu.dma_semaphore, #tpu.memory_space<semaphore_mem>>) src(%dma_wait3A_381 : memref<32768xf32, #tpu.memory_space<vmem_shared>>) dst(%dma_wait3A_380 : memref<32768xf32, #tpu.memory_space<hbm>>)
    %barrier3A_382 = arith.constant 0 : index
    tpu.barrier barrier_id(%barrier3A_382)
    "tpu.region"() ({
      %run_scoped3A = tpu.sem_alloc : memref<!tpu.dma_semaphore, #tpu.memory_space<semaphore_mem>>
      %dma_start3A_431 = arith.constant 0 : i32
      %dma_start3A_432 = tpu.memref_slice %arg12[%dma_start3A_431] : memref<525312xf32, #tpu.memory_space<vmem_shared>> -> memref<525312xf32, #tpu.memory_space<vmem_shared>>
      tpu.enqueue_indirect_dma source(%arg10 : memref<6272xf32, #tpu.memory_space<vmem>>) target(%dma_start3A_432 : memref<525312xf32, #tpu.memory_space<vmem_shared>>) offsets(%arg8 : memref<6272xi32, #tpu.memory_space<vmem>>) semaphore(%run_scoped3A : memref<!tpu.dma_semaphore, #tpu.memory_space<semaphore_mem>>) {add = true}
      %dma_wait3A_433 = arith.constant 0 : i32
      %dma_wait3A_434 = tpu.memref_slice %arg12[%dma_wait3A_433] : memref<525312xf32, #tpu.memory_space<vmem_shared>> -> memref<525312xf32, #tpu.memory_space<vmem_shared>>
      tpu.wait_indirect_dma semaphore(%run_scoped3A : memref<!tpu.dma_semaphore, #tpu.memory_space<semaphore_mem>>) src(%arg10 : memref<6272xf32, #tpu.memory_space<vmem>>) dst(%dma_wait3A_434 : memref<525312xf32, #tpu.memory_space<vmem_shared>>)
      tpu.yield
    }) : () -> ()
    %barrier3A_383 = arith.constant 0 : index
    tpu.barrier barrier_id(%barrier3A_383)
    %add3A_384 = arith.constant 524288 : i32
    %add3A_385 = arith.addi %mul3A_84, %add3A_384 : i32
    %mul3A_386 = arith.constant 32768 : i32
    %mul3A_387 = arith.muli %arg1, %mul3A_386 : i32
    %add3A_388 = arith.addi %add3A_385, %mul3A_387 : i32
    %mul3A_389 = arith.constant 32768 : i32
    %mul3A_390 = arith.muli %arg1, %mul3A_389 : i32
    %add3A_391 = arith.constant 12582912 : i32
    %add3A_392 = arith.addi %add3A_391, %add3A_388 : i32
    %dma_start3A_393 = tpu.memref_slice %arg4[%add3A_392] : memref<16777216xf32, #tpu.memory_space<hbm>> -> memref<32768xf32, #tpu.memory_space<hbm>>
    %dma_start3A_394 = tpu.memref_slice %arg12[%mul3A_390] : memref<525312xf32, #tpu.memory_space<vmem_shared>> -> memref<32768xf32, #tpu.memory_space<vmem_shared>>
    tpu.enqueue_dma source(%dma_start3A_394 : memref<32768xf32, #tpu.memory_space<vmem_shared>>) target(%dma_start3A_393 : memref<32768xf32, #tpu.memory_space<hbm>>) target_semaphore(%arg14 : memref<!tpu.dma_semaphore, #tpu.memory_space<semaphore_mem>>)
    %dma_wait3A_395 = tpu.memref_slice %arg3[%add3A_362] : memref<903168xf32, #tpu.memory_space<hbm>> -> memref<6272xf32, #tpu.memory_space<hbm>>
    %dma_wait3A_396 = tpu.memref_slice %arg3[%add3A_362] : memref<903168xf32, #tpu.memory_space<hbm>> -> memref<6272xf32, #tpu.memory_space<hbm>>
    tpu.wait_dma2 semaphore(%arg15 : memref<!tpu.dma_semaphore, #tpu.memory_space<semaphore_mem>>) src(%dma_wait3A_396 : memref<6272xf32, #tpu.memory_space<hbm>>) dst(%arg9 : memref<6272xf32, #tpu.memory_space<vmem>>)
    %dma_wait3A_397 = tpu.memref_slice %arg4[%add3A_377] : memref<16777216xf32, #tpu.memory_space<hbm>> -> memref<32768xf32, #tpu.memory_space<hbm>>
    %dma_wait3A_398 = tpu.memref_slice %arg11[%mul3A_375] : memref<525312xf32, #tpu.memory_space<vmem_shared>> -> memref<32768xf32, #tpu.memory_space<vmem_shared>>
    tpu.wait_dma2 semaphore(%arg13 : memref<!tpu.dma_semaphore, #tpu.memory_space<semaphore_mem>>) src(%dma_wait3A_398 : memref<32768xf32, #tpu.memory_space<vmem_shared>>) dst(%dma_wait3A_397 : memref<32768xf32, #tpu.memory_space<hbm>>)
    %barrier3A_399 = arith.constant 0 : index
    tpu.barrier barrier_id(%barrier3A_399)
    "tpu.region"() ({
      %run_scoped3A = tpu.sem_alloc : memref<!tpu.dma_semaphore, #tpu.memory_space<semaphore_mem>>
      %dma_start3A_431 = arith.constant 0 : i32
      %dma_start3A_432 = tpu.memref_slice %arg11[%dma_start3A_431] : memref<525312xf32, #tpu.memory_space<vmem_shared>> -> memref<525312xf32, #tpu.memory_space<vmem_shared>>
      tpu.enqueue_indirect_dma source(%arg9 : memref<6272xf32, #tpu.memory_space<vmem>>) target(%dma_start3A_432 : memref<525312xf32, #tpu.memory_space<vmem_shared>>) offsets(%arg7 : memref<6272xi32, #tpu.memory_space<vmem>>) semaphore(%run_scoped3A : memref<!tpu.dma_semaphore, #tpu.memory_space<semaphore_mem>>) {add = true}
      %dma_wait3A_433 = arith.constant 0 : i32
      %dma_wait3A_434 = tpu.memref_slice %arg11[%dma_wait3A_433] : memref<525312xf32, #tpu.memory_space<vmem_shared>> -> memref<525312xf32, #tpu.memory_space<vmem_shared>>
      tpu.wait_indirect_dma semaphore(%run_scoped3A : memref<!tpu.dma_semaphore, #tpu.memory_space<semaphore_mem>>) src(%arg9 : memref<6272xf32, #tpu.memory_space<vmem>>) dst(%dma_wait3A_434 : memref<525312xf32, #tpu.memory_space<vmem_shared>>)
      tpu.yield
    }) : () -> ()
    %barrier3A_400 = arith.constant 0 : index
    tpu.barrier barrier_id(%barrier3A_400)
    %add3A_401 = arith.constant 0 : i32
    %add3A_402 = arith.addi %mul3A_84, %add3A_401 : i32
    %mul3A_403 = arith.constant 32768 : i32
    %mul3A_404 = arith.muli %arg1, %mul3A_403 : i32
    %add3A_405 = arith.addi %add3A_402, %mul3A_404 : i32
    %mul3A_406 = arith.constant 32768 : i32
    %mul3A_407 = arith.muli %arg1, %mul3A_406 : i32
    %add3A_408 = arith.constant 14680064 : i32
    %add3A_409 = arith.addi %add3A_408, %add3A_405 : i32
    %dma_start3A_410 = tpu.memref_slice %arg4[%add3A_409] : memref<16777216xf32, #tpu.memory_space<hbm>> -> memref<32768xf32, #tpu.memory_space<hbm>>
    %dma_start3A_411 = tpu.memref_slice %arg11[%mul3A_407] : memref<525312xf32, #tpu.memory_space<vmem_shared>> -> memref<32768xf32, #tpu.memory_space<vmem_shared>>
    tpu.enqueue_dma source(%dma_start3A_411 : memref<32768xf32, #tpu.memory_space<vmem_shared>>) target(%dma_start3A_410 : memref<32768xf32, #tpu.memory_space<hbm>>) target_semaphore(%arg13 : memref<!tpu.dma_semaphore, #tpu.memory_space<semaphore_mem>>)
    %dma_wait3A_412 = tpu.memref_slice %arg4[%add3A_392] : memref<16777216xf32, #tpu.memory_space<hbm>> -> memref<32768xf32, #tpu.memory_space<hbm>>
    %dma_wait3A_413 = tpu.memref_slice %arg12[%mul3A_390] : memref<525312xf32, #tpu.memory_space<vmem_shared>> -> memref<32768xf32, #tpu.memory_space<vmem_shared>>
    tpu.wait_dma2 semaphore(%arg14 : memref<!tpu.dma_semaphore, #tpu.memory_space<semaphore_mem>>) src(%dma_wait3A_413 : memref<32768xf32, #tpu.memory_space<vmem_shared>>) dst(%dma_wait3A_412 : memref<32768xf32, #tpu.memory_space<hbm>>)
    %barrier3A_414 = arith.constant 0 : index
    tpu.barrier barrier_id(%barrier3A_414)
    "tpu.region"() ({
      %run_scoped3A = tpu.sem_alloc : memref<!tpu.dma_semaphore, #tpu.memory_space<semaphore_mem>>
      %dma_start3A_431 = arith.constant 0 : i32
      %dma_start3A_432 = tpu.memref_slice %arg12[%dma_start3A_431] : memref<525312xf32, #tpu.memory_space<vmem_shared>> -> memref<525312xf32, #tpu.memory_space<vmem_shared>>
      tpu.enqueue_indirect_dma source(%arg9 : memref<6272xf32, #tpu.memory_space<vmem>>) target(%dma_start3A_432 : memref<525312xf32, #tpu.memory_space<vmem_shared>>) offsets(%arg8 : memref<6272xi32, #tpu.memory_space<vmem>>) semaphore(%run_scoped3A : memref<!tpu.dma_semaphore, #tpu.memory_space<semaphore_mem>>) {add = true}
      %dma_wait3A_433 = arith.constant 0 : i32
      %dma_wait3A_434 = tpu.memref_slice %arg12[%dma_wait3A_433] : memref<525312xf32, #tpu.memory_space<vmem_shared>> -> memref<525312xf32, #tpu.memory_space<vmem_shared>>
      tpu.wait_indirect_dma semaphore(%run_scoped3A : memref<!tpu.dma_semaphore, #tpu.memory_space<semaphore_mem>>) src(%arg9 : memref<6272xf32, #tpu.memory_space<vmem>>) dst(%dma_wait3A_434 : memref<525312xf32, #tpu.memory_space<vmem_shared>>)
      tpu.yield
    }) : () -> ()
    %barrier3A_415 = arith.constant 0 : index
    tpu.barrier barrier_id(%barrier3A_415)
    %add3A_416 = arith.constant 524288 : i32
    %add3A_417 = arith.addi %mul3A_84, %add3A_416 : i32
    %mul3A_418 = arith.constant 32768 : i32
    %mul3A_419 = arith.muli %arg1, %mul3A_418 : i32
    %add3A_420 = arith.addi %add3A_417, %mul3A_419 : i32
    %mul3A_421 = arith.constant 32768 : i32
    %mul3A_422 = arith.muli %arg1, %mul3A_421 : i32
    %add3A_423 = arith.constant 14680064 : i32
    %add3A_424 = arith.addi %add3A_423, %add3A_420 : i32
    %dma_start3A_425 = tpu.memref_slice %arg4[%add3A_424] : memref<16777216xf32, #tpu.memory_space<hbm>> -> memref<32768xf32, #tpu.memory_space<hbm>>
    %dma_start3A_426 = tpu.memref_slice %arg12[%mul3A_422] : memref<525312xf32, #tpu.memory_space<vmem_shared>> -> memref<32768xf32, #tpu.memory_space<vmem_shared>>
    tpu.enqueue_dma source(%dma_start3A_426 : memref<32768xf32, #tpu.memory_space<vmem_shared>>) target(%dma_start3A_425 : memref<32768xf32, #tpu.memory_space<hbm>>) target_semaphore(%arg14 : memref<!tpu.dma_semaphore, #tpu.memory_space<semaphore_mem>>)
    %dma_wait3A_427 = tpu.memref_slice %arg4[%add3A_409] : memref<16777216xf32, #tpu.memory_space<hbm>> -> memref<32768xf32, #tpu.memory_space<hbm>>
    %dma_wait3A_428 = tpu.memref_slice %arg11[%mul3A_407] : memref<525312xf32, #tpu.memory_space<vmem_shared>> -> memref<32768xf32, #tpu.memory_space<vmem_shared>>
    tpu.wait_dma2 semaphore(%arg13 : memref<!tpu.dma_semaphore, #tpu.memory_space<semaphore_mem>>) src(%dma_wait3A_428 : memref<32768xf32, #tpu.memory_space<vmem_shared>>) dst(%dma_wait3A_427 : memref<32768xf32, #tpu.memory_space<hbm>>)
    %dma_wait3A_429 = tpu.memref_slice %arg4[%add3A_424] : memref<16777216xf32, #tpu.memory_space<hbm>> -> memref<32768xf32, #tpu.memory_space<hbm>>
    %dma_wait3A_430 = tpu.memref_slice %arg12[%mul3A_422] : memref<525312xf32, #tpu.memory_space<vmem_shared>> -> memref<32768xf32, #tpu.memory_space<vmem_shared>>
    tpu.wait_dma2 semaphore(%arg14 : memref<!tpu.dma_semaphore, #tpu.memory_space<semaphore_mem>>) src(%dma_wait3A_430 : memref<32768xf32, #tpu.memory_space<vmem_shared>>) dst(%dma_wait3A_429 : memref<32768xf32, #tpu.memory_space<hbm>>)
    return
  }
}

module attributes {stable_mosaic.version = 14 : i64} {
  func.func @_tc_body(%arg0: i32, %arg1: memref<8x16x128x128xf32, #tpu.memory_space<vmem>>, %arg2: memref<16x128x128xf32, #tpu.memory_space<vmem>>, %arg3: memref<8x128x128xf32, #tpu.memory_space<vmem>>, %arg4: memref<8x16x128xf32, #tpu.memory_space<vmem>>, %arg5: memref<8x16x128xf32, #tpu.memory_space<vmem>>) attributes {dimension_semantics = [#tpu.dimension_semantics<arbitrary>], iteration_bounds = array<i64: 8>, scalar_prefetch = 0 : i64, scratch_operands = 0 : i64, tpu.core_type = #tpu.core_type<tc>, window_params = [{transform_indices = @transform_0, window_bounds = array<i64: 8, 16, 128, 128>}, {transform_indices = @transform_1, window_bounds = array<i64: 16, 128, 128>}, {pipeline_mode = #tpu.pipeline_mode<synchronous>, transform_indices = @transform_2, window_bounds = array<i64: 8, 128, 128>}, {transform_indices = @transform_3, window_bounds = array<i64: 8, 16, 128>}, {transform_indices = @transform_4, window_bounds = array<i64: 8, 16, 128>}]} {
    %get3A = arith.constant 0 : index
    %get3A_0 = arith.constant 0 : index
    %get3A_1 = arith.constant 0 : index
    %get3A_2 = vector.load %arg2[%get3A, %get3A_0, %get3A_1] : memref<16x128x128xf32, #tpu.memory_space<vmem>>, vector<16x128x128xf32>
    %max3A = arith.constant 1.000000e+00 : f32
    %max3A_3 = vector.broadcast %max3A : f32 to vector<16x128x128xf32>
    %max3A_4 = arith.maximumf %get3A_2, %max3A_3 : vector<16x128x128xf32>
    %div3A = arith.constant 1.000000e+00 : f32
    %div3A_5 = vector.broadcast %div3A : f32 to vector<16x128x128xf32>
    %div3A_6 = arith.divf %div3A_5, %max3A_4 : vector<16x128x128xf32>
    %get3A_7 = arith.constant 0 : index
    %get3A_8 = arith.constant 0 : index
    %get3A_9 = arith.constant 0 : index
    %get3A_10 = arith.constant 0 : index
    %get3A_11 = vector.load %arg1[%get3A_7, %get3A_8, %get3A_9, %get3A_10] : memref<8x16x128x128xf32, #tpu.memory_space<vmem>>, vector<8x16x128x128xf32>
    %broadcast_in_dim3A = vector.shape_cast %div3A_6 : vector<16x128x128xf32> to vector<1x16x128x128xf32>
    %mul3A = vector.broadcast %broadcast_in_dim3A : vector<1x16x128x128xf32> to vector<8x16x128x128xf32>
    %mul3A_12 = arith.mulf %get3A_11, %mul3A : vector<8x16x128x128xf32>
    %reduce_max3A = arith.constant dense<0xFF800000> : vector<8x16x128xf32>
    %reduce_max3A_13 = vector.multi_reduction <maximumf>, %mul3A_12, %reduce_max3A [2] : vector<8x16x128x128xf32> to vector<8x16x128xf32>
    %swap3A = arith.constant 0 : index
    %swap3A_14 = arith.constant 0 : index
    %swap3A_15 = arith.constant 0 : index
    %swap3A_16 = vector.load %arg4[%swap3A, %swap3A_14, %swap3A_15] : memref<8x16x128xf32, #tpu.memory_space<vmem>>, vector<8x16x128xf32>
    tpu.vector_store %arg4[%swap3A, %swap3A_14, %swap3A_15], %reduce_max3A_13 {strides = array<i32>} : memref<8x16x128xf32, #tpu.memory_space<vmem>>, vector<8x16x128xf32>,
    %reduce_max3A_17 = arith.constant dense<0xFF800000> : vector<8x16x128xf32>
    %reduce_max3A_18 = vector.multi_reduction <maximumf>, %mul3A_12, %reduce_max3A_17 [3] : vector<8x16x128x128xf32> to vector<8x16x128xf32>
    %swap3A_19 = arith.constant 0 : index
    %swap3A_20 = arith.constant 0 : index
    %swap3A_21 = arith.constant 0 : index
    %swap3A_22 = vector.load %arg5[%swap3A_19, %swap3A_20, %swap3A_21] : memref<8x16x128xf32, #tpu.memory_space<vmem>>, vector<8x16x128xf32>
    tpu.vector_store %arg5[%swap3A_19, %swap3A_20, %swap3A_21], %reduce_max3A_18 {strides = array<i32>} : memref<8x16x128xf32, #tpu.memory_space<vmem>>, vector<8x16x128xf32>,
    %reduce_max3A_23 = arith.constant dense<0xFF800000> : vector<8x128x128xf32>
    %reduce_max3A_24 = vector.multi_reduction <maximumf>, %mul3A_12, %reduce_max3A_23 [1] : vector<8x16x128x128xf32> to vector<8x128x128xf32>
    %eq3A = arith.constant 0 : i32
    %eq3A_25 = arith.cmpi eq, %arg0, %eq3A : i32
    %convert_element_type3A = arith.extui %eq3A_25 : i1 to i32
    %cond3A = arith.constant 0 : i32
    %cond3A_26 = arith.cmpi ne, %convert_element_type3A, %cond3A : i32
    scf.if %cond3A_26 {
      %swap3A_31 = arith.constant 0 : index
      %swap3A_32 = arith.constant 0 : index
      %swap3A_33 = arith.constant 0 : index
      %swap3A_34 = vector.load %arg3[%swap3A_31, %swap3A_32, %swap3A_33] : memref<8x128x128xf32, #tpu.memory_space<vmem>>, vector<8x128x128xf32>
      tpu.vector_store %arg3[%swap3A_31, %swap3A_32, %swap3A_33], %reduce_max3A_24 {strides = array<i32>} : memref<8x128x128xf32, #tpu.memory_space<vmem>>, vector<8x128x128xf32>,
    } else {
    }
    %ne3A = arith.constant 0 : i32
    %ne3A_27 = arith.cmpi ne, %arg0, %ne3A : i32
    %convert_element_type3A_28 = arith.extui %ne3A_27 : i1 to i32
    %cond3A_29 = arith.constant 0 : i32
    %cond3A_30 = arith.cmpi ne, %convert_element_type3A_28, %cond3A_29 : i32
    scf.if %cond3A_30 {
      %get3A_31 = arith.constant 0 : index
      %get3A_32 = arith.constant 0 : index
      %get3A_33 = arith.constant 0 : index
      %get3A_34 = vector.load %arg3[%get3A_31, %get3A_32, %get3A_33] : memref<8x128x128xf32, #tpu.memory_space<vmem>>, vector<8x128x128xf32>
      %max3A_35 = arith.maximumf %get3A_34, %reduce_max3A_24 : vector<8x128x128xf32>
      %swap3A_36 = arith.constant 0 : index
      %swap3A_37 = arith.constant 0 : index
      %swap3A_38 = arith.constant 0 : index
      %swap3A_39 = vector.load %arg3[%swap3A_36, %swap3A_37, %swap3A_38] : memref<8x128x128xf32, #tpu.memory_space<vmem>>, vector<8x128x128xf32>
      tpu.vector_store %arg3[%swap3A_36, %swap3A_37, %swap3A_38], %max3A_35 {strides = array<i32>} : memref<8x128x128xf32, #tpu.memory_space<vmem>>, vector<8x128x128xf32>,
    } else {
    }
    return
  }
  func.func @transform_0(%arg0: i32) -> (i32, i32, i32, i32) {
    %c0_i32 = arith.constant 0 : i32
    %c0_i32_0 = arith.constant 0 : i32
    %c0_i32_1 = arith.constant 0 : i32
    %c0_i32_2 = arith.constant 0 : i32
    return %c0_i32, %arg0, %c0_i32_0, %c0_i32_1 : i32, i32, i32, i32
  }
  func.func @transform_1(%arg0: i32) -> (i32, i32, i32) {
    %c0_i32 = arith.constant 0 : i32
    %c0_i32_0 = arith.constant 0 : i32
    %c0_i32_1 = arith.constant 0 : i32
    return %arg0, %c0_i32, %c0_i32_0 : i32, i32, i32
  }
  func.func @transform_2(%arg0: i32) -> (i32, i32, i32) {
    %c0_i32 = arith.constant 0 : i32
    %c0_i32_0 = arith.constant 0 : i32
    %c0_i32_1 = arith.constant 0 : i32
    %c0_i32_2 = arith.constant 0 : i32
    return %c0_i32, %c0_i32_0, %c0_i32_1 : i32, i32, i32
  }
  func.func @transform_3(%arg0: i32) -> (i32, i32, i32) {
    %c0_i32 = arith.constant 0 : i32
    %c0_i32_0 = arith.constant 0 : i32
    %c0_i32_1 = arith.constant 0 : i32
    return %c0_i32, %arg0, %c0_i32_0 : i32, i32, i32
  }
  func.func @transform_4(%arg0: i32) -> (i32, i32, i32) {
    %c0_i32 = arith.constant 0 : i32
    %c0_i32_0 = arith.constant 0 : i32
    %c0_i32_1 = arith.constant 0 : i32
    return %c0_i32, %arg0, %c0_i32_0 : i32, i32, i32
  }
}

</mosaic_0001>

<sc_bundles>
// kernel: kernel.4.cloned.1.call-start
scs
__scs_entry_jumppad:
0x0: {  	(pc) =	sbr.rel $0x88, $3  }
0x1: {  	(tag) =	ssettag $0x0;
	lr =	simm.s32 $0x1  }
0x2: {  	[smem:$0x3F9F] =	sst lr;
	_ =	strace $0xD0000000  }
0x3: {  	_ = 	snop  }
0x4: {  	_ = 	snop  }
0x5: {  	_ = 	snop  }
0x6: {  	_ = 	snop  }
0x7: {  	_ = 	snop  }
__scs_overlays_trampoline_lowered:
0x8: {  	[smem:$0x3FAE] =	sst s0  }
0x9: {  	[smem:$0x3FAF] =	sst s1  }
0xa: {  	[smem:$0x3FB0] =	sst s2  }
0xb: {  	[smem:$0x3FB1] =	sst s3  }
0xc: {  	[smem:$0x3FB2] =	sst s4  }
0xd: {  	[smem:$0x3FB3] =	sst s5  }
0xe: {  	[smem:$0x3FB4] =	sst s6  }
0xf: {  	[smem:$0x3FB5] =	sst s7  }
0x10: {  	[smem:$0x3FB6] =	sst s8  }
0x11: {  	[smem:$0x3FB7] =	sst s9;
	s0 =	simm.s32 @!p0 $0x0  }
0x12: {  	s1 =	sld [smem:$0x3F9D];
	s0 =	simm.s32 @p0 $0x1  }
0x13: {  	[smem:$0x3FB8] =	sst s0;
	s0 =	simm.s32 @!p1 $0x0  }
0x14: {  	s2 =	sld [smem:$0x3F9C];
	s0 =	simm.s32 @p1 $0x1  }
0x15: {  	[smem:$0x3FB9] =	sst s0;
	s0 =	simm.s32 @!p2 $0x0  }
0x16: {  	s3 =	sld [smem:$0x3FDB];
	s0 =	simm.s32 @p2 $0x1  }
0x17: {  	s4 =	simm.s32 $0x1BF5;
	[smem:$0x3FBB] =	sst s0  }
0x18: {  	s0 =	sld [smem:$0x3F9E];
	_ =	swait.ge [sflag:s4], $0x0  }
0x19: {  	s7 =	sld [smem:$0x3F9F]  }
0x1a: {  	s8 =	sadd.s32 $0xFFFFE003, lr  }
0x1b: {  	s9 =	sadd.s32 $0xFFFFFEF7, lr;
	s5 =	simm.s32 $0xFFFFFFFF;
	p2 =	slt.u32 s8, $0xFFFFF086  }
0x1c: {  	p1 =	slt.u32 s9, $0xF7A;
	s5 =	simm.s32 @!p2 $0x0  }
0x1d: {  	s5 =	simm.s32 @p1 $0x1;
	p0 =	seq.s32 s7, s2  }
0x1e: {  	s7 =	smul.u32 @!p0 $0xF7A, s2;
	p2 =	seq.s32 @!p0 s5, $0x0  }
0x1f: {  	s9 =	smul.u32 $0xF7A, s1;
	s8 =	simm.s32 @!p0 $0x1BF5;
	p2 =	por !p2, p0  }
0x20: {  	[sflag:s8] =	ssyncset.s32 @!p0 $0xFFFFF086;
	s6 =	sadd.s32 @!p0 s3, s7;
	s7 =	simm.s32 @!p0 $0x108  }
0x21: {  	s3 =	sadd.s32 s3, s9;
	s6 =	sadd.s32 @!p0 $0x88, s6;
	s7 =	simm.s32 @p2 $0x1082  }
0x22: {  	[simem:s7], [sflag:s8] =	dma.local @!p0 [hbm:s6], $0xF7A  }
0x23: {  	s9 =	sor.u32 $0xD0000000, s2;
	s6 =	simm.s32 $0x108;
	_ =	swait.ge @!p0 [sflag:s8], $0x0  }
0x24: {  	s3 =	sadd.s32 $0x88, s3;
	s6 =	simm.s32 @!p1 $0x1082;
	[sflag:s4] =	ssyncset.s32 $0xFFFFF086  }
0x25: {  	[simem:s6], [sflag:s4] =	dma.local [hbm:s3], $0xF7A  }
0x26: {  	[smem:$0x3F9F] =	sst s1;
	(tag) =	ssettag s2;
	_ =	strace s9  }
0x27: {  	s1 =	sld [smem:$0x3FAF]  }
0x28: {  	s2 =	sld [smem:$0x3FB0]  }
0x29: {  	s4 =	sld [smem:$0x3FB2]  }
0x2a: {  	p0 =	seq.s32 s5, $0x0;
	s5 =	sld [smem:$0x3FB3]  }
0x2b: {  	s6 =	sld [smem:$0x3FB4]  }
0x2c: {  	s7 =	sld [smem:$0x3FB5]  }
0x2d: {  	s3 =	simm.s32 $0x108;
	s8 =	sld [smem:$0x3FB6]  }
0x2e: {  	s3 =	simm.s32 @!p0 $0x1082;
	s9 =	sld [smem:$0x3FB7]  }
0x2f: {  	lr =	sadd.s32 s0, s3;
	s0 =	sld [smem:$0x3FAE]  }
0x30: {  	s3 =	sld [smem:$0x3FB1]  }
0x31: {  	[smem:$0x3FBA] =	sst s10  }
0x32: {  	s10 =	sld [smem:$0x3FB8];
	_ =	sdelay $0x3  }
0x33: {  	p0 =	seq.s32 s10, $0x1;
	s10 =	sld [smem:$0x3FBA];
	_ =	sdelay $0x3  }
0x34: {  	[smem:$0x3FBA] =	sst s10  }
0x35: {  	s10 =	sld [smem:$0x3FB9];
	_ =	sdelay $0x3  }
0x36: {  	p1 =	seq.s32 s10, $0x1;
	s10 =	sld [smem:$0x3FBA];
	_ =	sdelay $0x3  }
0x37: {  	[smem:$0x3FBA] =	sst s10  }
0x38: {  	s10 =	sld [smem:$0x3FBB]  }
0x39: {  	_ = 	snop;
	(pc) =	sbr.ind lr, $3  }
0x3a: {  	_ = 	snop  }
0x3b: {  	_ = 	snop  }
0x3c: {  	p2 =	seq.s32 s10, $0x1;
	s10 =	sld [smem:$0x3FBA]  }
0x3d: {  	_ =	shalt  }
0x3e: {  	_ =	shalt  }
0x3f: {  	_ =	shalt  }
0x40: {  	_ =	shalt  }
0x41: {  	_ =	shalt  }
0x42: {  	_ =	shalt  }
0x43: {  	_ =	shalt  }
0x44: {  	_ =	shalt  }
0x45: {  	_ =	shalt  }
0x46: {  	_ =	shalt  }
0x47: {  	_ =	shalt  }
0x48: {  	_ =	shalt  }
0x49: {  	_ =	shalt  }
0x4a: {  	_ =	shalt  }
0x4b: {  	_ =	shalt  }
0x4c: {  	_ =	shalt  }
0x4d: {  	_ =	shalt  }
0x4e: {  	_ =	shalt  }
0x4f: {  	_ =	shalt  }
0x50: {  	_ =	shalt  }
0x51: {  	_ =	shalt  }
0x52: {  	_ =	shalt  }
0x53: {  	_ =	shalt  }
0x54: {  	_ =	shalt  }
0x55: {  	_ =	shalt  }
0x56: {  	_ =	shalt  }
0x57: {  	_ =	shalt  }
0x58: {  	_ =	shalt  }
0x59: {  	_ =	shalt  }
0x5a: {  	_ =	shalt  }
0x5b: {  	_ =	shalt  }
0x5c: {  	_ =	shalt  }
0x5d: {  	_ =	shalt  }
0x5e: {  	_ =	shalt  }
0x5f: {  	_ =	shalt  }
0x60: {  	_ =	shalt  }
0x61: {  	_ =	shalt  }
0x62: {  	_ =	shalt  }
0x63: {  	_ =	shalt  }
0x64: {  	_ =	shalt  }
0x65: {  	_ =	shalt  }
0x66: {  	_ =	shalt  }
0x67: {  	_ =	shalt  }
0x68: {  	_ =	shalt  }
0x69: {  	_ =	shalt  }
0x6a: {  	_ =	shalt  }
0x6b: {  	_ =	shalt  }
0x6c: {  	_ =	shalt  }
0x6d: {  	_ =	shalt  }
0x6e: {  	_ =	shalt  }
0x6f: {  	_ =	shalt  }
0x70: {  	_ =	shalt  }
0x71: {  	_ =	shalt  }
0x72: {  	_ =	shalt  }
0x73: {  	_ =	shalt  }
0x74: {  	_ =	shalt  }
0x75: {  	_ =	shalt  }
0x76: {  	_ =	shalt  }
0x77: {  	_ =	shalt  }
0x78: {  	_ =	shalt  }
0x79: {  	_ =	shalt  }
0x7a: {  	_ =	shalt  }
0x7b: {  	_ =	shalt  }
0x7c: {  	_ =	shalt  }
0x7d: {  	_ =	shalt  }
0x7e: {  	_ =	shalt  }
0x7f: {  	_ =	shalt  }
0x80: {  	_ =	shalt  }
0x81: {  	_ =	shalt  }
0x82: {  	_ =	shalt  }
0x83: {  	_ =	shalt  }
0x84: {  	_ =	shalt  }
0x85: {  	_ =	shalt  }
0x86: {  	_ =	shalt  }
0x87: {  	_ =	shalt  }
.Lfunc_end0:
.L_simem_size_0:
called_computation_lowered:
.L_overlay_start_0:
0x88: {  	s2 =	sld [smem:$0x3FD9]  }
0x89: {  	s3 =	sld [smem:$0x3FFE];
	_ =	sdelay $0x1  }
0x8a: {  	s1 =	srdreg.scid  }
0x8b: {  	s0 =	sand.u32 $0x1, s1  }
0x8c: {  	s16 =	sshll.u32 s0, $0xA;
	s2 =	sadd.s32 s3, s2  }
0x8d: {  	s2 =	sadd.s32 s2, s16  }
0x8e: {  	[smem:$0x3FC6] =	sst s2  }
0x8f: {  	_ = 	snop  }
0x90: {  	(tm) =	ssettm $0x1  }
0x91: {  	s17 =	sld [smem:$0x3FFB];
	_ =	sdelay $0x3  }
0x92: {  	_ =	strace s17  }
0x93: {  	s2 =	sld [smem:$0x3FFC];
	_ =	sdelay $0x3  }
0x94: {  	_ =	strace s2  }
0x95: {  	s2 =	sld [smem:$0x3FFD];
	_ =	sdelay $0x3  }
0x96: {  	_ =	strace s2  }
0x97: {  	_ =	strace $0x8FFFFFFF  }
0x98: {  	s18 =	sld [smem:$0x3FDB];
	_ =	sdelay $0x1  }
0x99: {  	s19 =	simm.s32 $_scs_section_size  }
0x9a: {  	s4 =	simm.s32 $_size__tile_overlayer_lowered;
	s5 =	simm.s32 $_tile_overlayer_lowered  }
0x9b: {  	s22 =	simm.s32 $0x1BFF;
	s21 =	sshll.u32 s5, $0x1;
	s2 =	sadd.s32 s19, s18  }
0x9c: {  	s6 =	simm.s32 $0x0;
	s20 =	sshll.u32 s4, $0x1;
	s4 =	sadd.s32 s21, s2  }
0x9d: {  	[timem:s6], [sflag:s22] =	dma.local [hbm:s4], s20  }
0x9e: {  	_ =	swait.ge [sflag:s22], s20  }
0x9f: {  	s3 =	ssub.s32 $0x0, s20;
	[sflag:s22] =	ssyncset.done $0x0  }
0xa0: {  	[sflag:s22] =	ssyncadd.s32 s3;
	_ =	sdelay $0x1  }
0xa1: {  	s23 =	simm.s32 $0x1B8B  }
0xa2: {  	_ =	swait.ge [sflag:s23], $0x1  }
0xa3: {  	[sflag:s23] =	ssyncset.done $0x0  }
0xa4: {  	s25 =	simm.s32 $0x1B8E;
	s24 =	sld [smem:$0x3FFE];
	[sflag:s23] =	ssyncadd.s32 $0xFFFFFFFF  }
0xa5: {  	s26 =	simm.s32 $execute0_lowered;
	[smem:$0x3FD2] =	sst s25  }
0xa6: {  	s4 =	sshll.u32 s26, $0x1;
	_ =	strace $0x80000046;
	[dreg:$0x1] =	wrdreg $0xFFFFFFFF  }
0xa7: {  	s28 =	simm.s32 $_size_execute0_lowered;
	s2 =	sadd.s32 s2, s4;
	[dreg:$0x0] =	wrdreg $0x0  }
0xa8: {  	s4 =	sshll.u32 s28, $0x1;
	[dreg:$0x2] =	wrdreg s2  }
0xa9: {  	[dreg:$0x3] =	wrdreg s4  }
0xaa: {  	[dreg:$0x4] =	wrdreg $0xC0  }
0xab: {  	_ =	task [dreg:s6], $0x5FFFF  }
0xac: {  	[dreg:$0x1] =	wrdreg $0xFFFFFFFF  }
0xad: {  	[dreg:$0x0] =	wrdreg $0x60  }
0xae: {  	[dreg:$0x2] =	wrdreg s24  }
0xaf: {  	[dreg:$0x3] =	wrdreg $0xEB800  }
0xb0: {  	[dreg:$0x4] =	wrdreg $0x16BC00  }
0xb1: {  	[dreg:$0x5] =	wrdreg $0x9  }
0xb2: {  	_ =	task.clear_ibuf [dreg:s6], $0x6FFFF;
	_ =	strace $0x90000046  }
0xb3: {  	s29 =	simm.s32 $0x9;
	_ =	strace $0x80000048  }
0xb4: {  	_ =	swait.ge [sflag:s29], $0x1  }
0xb5: {  	[sflag:s29] =	ssyncadd.s32 $0xFFFFFFFF  }
0xb6: {  	_ =	strace $0x90000048  }
0xb7: {  	_ =	sfence  }
0xb8: {  	s30 =	sld [smem:$0x0];
	_ =	sdelay $0x2  }
0xb9: {  	s31 =	sshll.u32 s1, $0xD;
	s1 =	sshrl.u32 s1, $0x2  }
0xba: {  	s3 =	sand.u32 $0x4000, s31;
	s1 =	sadd.s32 s1, s30  }
0xbb: {  	s0 =	sor.u32 s3, s0;
	s1 =	sshll.u32 s1, $0x11  }
0xbc: {  	s0 =	sor.u32 s1, s0  }
0xbd: {  	s0 =	sadd.s32 $0x8F2B, s0  }
0xbe: {  	[sflag:s0] =	ssyncadd.remote.s32 $0x1  }
0xbf: {  	_ =	sfence.sel $0xFFFF  }
0xc0: {  	[dreg:$0x0] =	wrdreg $0xFFFFFFFF;
	(pc) =	sbr.abs _section_cstart, $3  }
0xc1: {  	[dreg:$0x1] =	wrdreg $0xFFFFFFFF  }
0xc2: {  	_ =	task.clear_ibuf [dreg:s6], $0x2FFFF;
	_ =	strace $0x9FFFFFFF  }
0xc3: {  	(tm) =	ssettm $0x7FFFFFFF  }
tec
execute0_lowered:
.L_overlay_start_1:
0x0: {  	(tag) =	ssettag $0x1  }
0x1: {  	s0 =	rddreg [dreg:$0x0]  }
0x2: {  	s1 =	rddreg [dreg:$0x1]  }
0x3: {  	s2 =	rddreg [dreg:$0x2];
	s4 =	simm.s32 $0x0;
	s3 =	srdreg.scid  }
0x4: {  	s12 =	stileid.u32;
	[smem:$0x7FF] =	sst s4  }
0x5: {  	s3 =	sand.u32 $0x1, s3;
	s5 =	smul.u32 $0x1880, s12;
	s6 =	sadd.s32 $0x1200, s0  }
0x6: {  	s7 =	sadd.s32 $0xD600, s0;
	s9 =	sadd.s32 $0x69000, s0;
	s25 =	sshll.u32 s12, $0xF  }
0x7: {  	s0 =	sadd.s32 $0x29000, s0;
	_ =	strace $0x80000047;
	s12 =	sor.u32 $0x4000, s25  }
0x8: {  	s8 =	ssub.s32 $0x2, s3;
	s3 =	sshll.u32 s3, $0x14;
	s26 =	sadd.s32 s12, s1  }
0x9: {  	s5 =	sshrl.u32 s5, $0x3;
	s12 =	sadd.s32 s12, s2;
	[dreg:$0x7] =	wrdreg s26  }
0xa: {  	s13 =	sadd.s32 $0x3100, s5;
	s23 =	sadd.s32 s6, s5;
	[dreg:$0x8] =	wrdreg s12  }
0xb: {  	s14 =	sadd.s32 $0x6200, s5;
	[dreg:$0x4] =	wrdreg s23;
	s24 =	sadd.s32 s6, s13  }
0xc: {  	s15 =	sor.u32 s25, s3;
	s6 =	sadd.s32 s6, s14;
	[dreg:$0x5] =	wrdreg s24  }
0xd: {  	s28 =	sshrl.u32 s15, $0x3;
	s13 =	sadd.s32 s7, s13;
	[dreg:$0x6] =	wrdreg s6  }
0xe: {  	s10 =	sshrl.u32 s8, $0x1;
	s30 =	sadd.s32 s0, s28;
	[dreg:$0x9] =	wrdreg s13  }
0xf: {  	s11 =	ssub.s32 s8, s10;
	s31 =	sadd.s32 s7, s14;
	[dreg:$0xa] =	wrdreg s30  }
0x10: {  	s12 =	sadd.s32 s7, s5;
	s15 =	smax.u32 s11, $0x1;
	[dreg:$0xc] =	wrdreg s31  }
0x11: {  	s18 =	sadd.s32 $0xF500, s12;
	[dreg:$0x13] =	wrdreg s15  }
0x12: {  	s29 =	sor.u32 $0x10000, s28;
	s21 =	sadd.s32 $0x12600, s12;
	[dreg:$0x15] =	wrdreg s18  }
0x13: {  	s17 =	sadd.s32 s9, s28;
	s28 =	sadd.s32 $0x18800, s12;
	[dreg:$0x18] =	wrdreg s21  }
0x14: {  	s0 =	sadd.s32 s0, s29;
	[dreg:$0x1e] =	wrdreg s28  }
0x15: {  	s5 =	sadd.s32 s9, s29;
	[dreg:$0xb] =	wrdreg s0  }
0x16: {  	s6 =	sadd.s32 $0x9300, s12;
	[dreg:$0xd] =	wrdreg s5  }
0x17: {  	s7 =	sadd.s32 $0x40000, s17;
	[dreg:$0xe] =	wrdreg s6  }
0x18: {  	s9 =	sadd.s32 $0x50000, s17;
	[dreg:$0xf] =	wrdreg s7  }
0x19: {  	s13 =	sadd.s32 $0xC400, s12;
	[dreg:$0x10] =	wrdreg s9  }
0x1a: {  	s14 =	sadd.s32 $0x80000, s17;
	[dreg:$0x11] =	wrdreg s13  }
0x1b: {  	s16 =	sadd.s32 $0x90000, s17;
	[dreg:$0x12] =	wrdreg s14  }
0x1c: {  	s19 =	sadd.s32 $0xC0000, s17;
	[dreg:$0x14] =	wrdreg s16  }
0x1d: {  	s20 =	sadd.s32 $0xD0000, s17;
	[dreg:$0x16] =	wrdreg s19  }
0x1e: {  	s22 =	sadd.s32 $0x100000, s17;
	[dreg:$0x17] =	wrdreg s20  }
0x1f: {  	s23 =	sadd.s32 $0x110000, s17;
	[dreg:$0x19] =	wrdreg s22  }
0x20: {  	s8 =	sadd.s32 s25, s1;
	s24 =	sadd.s32 $0x15700, s12;
	[dreg:$0x1a] =	wrdreg s23  }
0x21: {  	s10 =	sadd.s32 s25, s2;
	s25 =	sadd.s32 $0x140000, s17;
	[dreg:$0x1b] =	wrdreg s24  }
0x22: {  	s26 =	sadd.s32 $0x150000, s17;
	[dreg:$0x1c] =	wrdreg s25  }
0x23: {  	s29 =	sadd.s32 $0x180000, s17;
	[dreg:$0x1d] =	wrdreg s26  }
0x24: {  	s30 =	sadd.s32 $0x190000, s17;
	[dreg:$0x1f] =	wrdreg s29  }
0x25: {  	s31 =	sadd.s32 $0x1C0000, s17;
	s15 =	simm.s32 $0x1880;
	[smem:$0x7FC] =	sst s30  }
0x26: {  	s18 =	simm.s32 $0x3;
	s21 =	simm.s32 $0xD300;
	[smem:$0x7FD] =	sst s31  }
0x27: {  	v0 =	vmov s3;
	s14 =	sadd.s32 $0x1D0000, s17;
	s16 =	simm.s32 $0x4980;
	s19 =	simm.s32 $0x1  }
0x28: {  	v0 =	vsub.s32 $0x0, v0;
	s20 =	simm.s32 $0xBA80;
	s22 =	simm.s32 $0x8980;
	s23 =	simm.s32 $0x4  }
0x29: {  	v1 =	vimm.f32 $0.0e+00;
	v2 =	vlaneseq.u32;
	v0 =	vbroadcast v0, $0x0;
	s24 =	simm.s32 $0xA200;
	s25 =	simm.s32 $0x2;
	s26 =	simm.s32 $0x0  }
.LBB2_1:
0x2a: {  	s0 =	rddreg [dreg:$0x4]  }
0x2b: {  	[tilespmem:s4], [sflag:$0x3] =	stream.linear.gather [hbm4b:s0+s4], $0x1880, $0x38;
	[tilespmem:$0x1EC00] =	vst v63  }
0x2c: {  	s30 =	rddreg [dreg:$0x5]  }
0x2d: {  	[tilespmem:s15], [sflag:$0x3] =	stream.linear.gather [hbm4b:s30+s4], $0x1880, $0x38;
	[tilespmem:$0x1EC00] =	vst v63  }
0x2e: {  	s31 =	rddreg [dreg:$0x6];
	s3 =	simm.s32 $0x3100  }
0x2f: {  	[tilespmem:s3], [sflag:$0x3] =	stream.linear.gather [hbm4b:s31+s4], $0x1880, $0x38;
	[tilespmem:$0x1EC00] =	vst v63  }
0x30: {  	s0 =	simm.s32 $0x10;
	s3 =	sand.u32 $0x3FF0, s4  }
.LBB2_2:
0x31: {  	p0 =	sne.s32 s0, $0x3FF0;
	[tilespmem:s3+$0x4980] =	vst v1;
	s3 =	smov.u32 s0;
	s0 =	sadd.s32 $0x10, s0  }
.Ltmp0:
0x32: {  	(pc) =	sbr.rel @p0 .LBB2_2-.Ltmp0, $2  }
0x33: {  	_ =	sdelay $0x2  }
0x34: {  	s3 =	sand.u32 $0x3FF0, s3  }
0x35: {  	[tilespmem:s3+$0x4980] =	vst v1  }
0x36: {  	[spmem:s8] =	stream.linear.scatter [tilespmem:s16], [sflag:$0x1], $0x4000, $0x38;
	[tilespmem:$0x1EC00] =	vst v63  }
0x37: {  	s0 =	rddreg [dreg:$0x7]  }
0x38: {  	[spmem:s0] =	stream.linear.scatter [tilespmem:s16], [sflag:$0x1], $0x4000, $0x38;
	[tilespmem:$0x1EC00] =	vst v63  }
0x39: {  	_ = 	snop  }
0x3a: {  	[spmem:s10] =	stream.linear.scatter [tilespmem:s16], [sflag:$0x1], $0x4000, $0x38;
	[tilespmem:$0x1EC00] =	vst v63  }
0x3b: {  	s11 =	rddreg [dreg:$0x8]  }
0x3c: {  	[spmem:s11] =	stream.linear.scatter [tilespmem:s16], [sflag:$0x1], $0x4000, $0x38;
	[tilespmem:$0x1EC00] =	vst v63  }
0x3d: {  	_ =	swait.ge [sflag:s18], $0x1880  }
0x3e: {  	[sflag:s18] =	ssyncset.done $0x0  }
0x3f: {  	[sflag:s18] =	ssyncadd.s32 $0xFFFFE780  }
0x40: {  	_ =	swait.ge [sflag:s18], $0x1880  }
0x41: {  	[sflag:s18] =	ssyncset.done $0x0  }
0x42: {  	[sflag:s18] =	ssyncadd.s32 $0xFFFFE780  }
0x43: {  	s13 =	simm.s32 $0x0;
	_ =	swait.ge [sflag:s18], $0x1880  }
0x44: {  	s3 =	simm.s32 $0x10;
	s5 =	sand.u32 $0x1F80, s13;
	[sflag:s18] =	ssyncset.done $0x0  }
0x45: {  	s6 =	sand.u32 $0x60, s13;
	s7 =	sadd.s32 $0x1880, s5;
	[sflag:s18] =	ssyncadd.s32 $0xFFFFE780  }
0x46: {  	s5 =	sadd.s32 $0x3100, s5;
	s9 =	sor.u32 s6, s7;
	v3 =	vld [tilespmem:s3+$0xFFFFFFF0]  }
0x47: {  	s6 =	sor.u32 s6, s5;
	v4 =	vld [tilespmem:s9+$0x0]  }
0x48: {  	v5 =	vld [tilespmem:s6+$0x0];
	_ =	sdelay $0x3  }
0x49: {  	v6 =	vmul.f32 $1.280000000e+02, v3  }
0x4a: {  	v4 =	vmul.f32 $1.280000000e+02, v4;
	v5 =	vmul.f32 $1.280000000e+02, v5  }
0x4b: {  	v6 =	vtrunc.f32 v6  }
0x4c: {  	v4 =	vtrunc.f32 v4;
	v5 =	vtrunc.f32 v5  }
0x4d: {  	v6 =	vcvt.f32.s32 v6;
	v4 =	vcvt.f32.s32 v4  }
0x4e: {  	v5 =	vcvt.f32.s32 v5  }
0x4f: {  	vm0 =	vgt.s32 v6, $0x0;
	vm1 =	vgt.s32 v4, $0x0  }
0x50: {  	v6 =	vnsel vm0, $0x0, v6;
	v4 =	vnsel vm1, $0x0, v4;
	vm0 =	vgt.s32 v5, $0x0  }
0x51: {  	v6 =	vmin.u32 v6, $0x7F;
	v4 =	vmin.u32 v4, $0x7F;
	v5 =	vnsel vm0, $0x0, v5  }
0x52: {  	v5 =	vmin.u32 v5, $0x7F;
	v6 =	vshll.u32 v6, $0xE;
	v4 =	vshll.u32 v4, $0x7  }
0x53: {  	v4 =	vor.u32 v6, v4;
	v5 =	vor.u32 v0, v5  }
0x54: {  	s0 =	sand.u32 $0x3E0, s13;
	v4 =	vadd.s32 v4, v5  }
0x55: {  	s0 =	sor.u32 $0x80000, s0;
	vm1 =	vge.f32 v3, $0.0e+00;
	vm0 =	vlt.u32 v4, $0x80000;
	v3 =	vand.u32 $0xFFF80000, v4  }
0x56: {  	v5 =	vor.u32 s0, v2;
	vm0 =	vmand vm1, vm0;
	vm2 =	veq.s32 v3, $0x80000  }
0x57: {  	s29 =	simm.s32 $0x8990;
	v3 =	vadd.s32 $0xFFF80000, v4;
	vm1 =	vmand vm1, vm2;
	v4 =	vsel vm0, v4, v5  }
0x58: {  	s11 =	sand.u32 $0x70, s3;
	s0 =	simm.s32 $0xA210;
	[tilespmem:s29+$0xFFFFFFF0] =	vst v4;
	v3 =	vsel vm1, v3, v5  }
0x59: {  	s5 =	sor.u32 s11, s5;
	[tilespmem:s0+$0xFFFFFFF0] =	vst v3  }
0x5a: {  	v3 =	vld [tilespmem:s5+$0x0]  }
0x5b: {  	s13 =	sor.u32 s11, s7;
	v5 =	vld [tilespmem:s3+$0x0]  }
0x5c: {  	v4 =	vld [tilespmem:s13+$0x0];
	_ =	sdelay $0x3  }
0x5d: {  	v3 =	vmul.f32 $1.280000000e+02, v3  }
0x5e: {  	v6 =	vmul.f32 $1.280000000e+02, v5;
	v4 =	vmul.f32 $1.280000000e+02, v4  }
0x5f: {  	v3 =	vtrunc.f32 v3  }
0x60: {  	v6 =	vtrunc.f32 v6;
	v4 =	vtrunc.f32 v4  }
0x61: {  	v6 =	vcvt.f32.s32 v6;
	v4 =	vcvt.f32.s32 v4  }
0x62: {  	v3 =	vcvt.f32.s32 v3  }
0x63: {  	vm0 =	vgt.s32 v6, $0x0;
	vm1 =	vgt.s32 v4, $0x0  }
0x64: {  	v6 =	vnsel vm0, $0x0, v6;
	vm0 =	vgt.s32 v3, $0x0;
	v4 =	vnsel vm1, $0x0, v4  }
0x65: {  	v3 =	vnsel vm0, $0x0, v3;
	v6 =	vmin.u32 v6, $0x7F;
	v4 =	vmin.u32 v4, $0x7F  }
0x66: {  	v3 =	vmin.u32 v3, $0x7F;
	v6 =	vshll.u32 v6, $0xE;
	v4 =	vshll.u32 v4, $0x7  }
0x67: {  	s3 =	sand.u32 $0x3F0, s3;
	v3 =	vor.u32 v0, v3;
	v4 =	vor.u32 v6, v4  }
0x68: {  	s3 =	sor.u32 $0x80000, s3;
	vm0 =	vge.f32 v5, $0.0e+00;
	v4 =	vadd.s32 v4, v3  }
0x69: {  	s30 =	simm.s32 $0x30;
	s28 =	simm.s32 $0xA230;
	v3 =	vor.u32 s3, v2;
	vm1 =	vlt.u32 v4, $0x80000;
	v6 =	vand.u32 $0xFFF80000, v4  }
0x6a: {  	s31 =	simm.s32 $0x30;
	s7 =	simm.s32 $0x50;
	s3 =	simm.s32 $0x8990;
	v5 =	vadd.s32 $0xFFF80000, v4;
	vm1 =	vmand vm0, vm1;
	vm2 =	veq.s32 v6, $0x80000  }
.LBB2_4:
0x6b: {  	s9 =	sadd.s32 $0xFFFFFFF0, s30  }
0x6c: {  	vm0 =	vmand vm0, vm2;
	v4 =	vsel vm1, v4, v3;
	s29 =	sadd.s32 $0x20, s29;
	s6 =	smov.u32 s7;
	s5 =	sadd.s32 $0x20, s7  }
0x6d: {  	p0 =	sne.s32 s7, $0x1870;
	s11 =	sand.u32 $0x1F80, s9;
	s13 =	sand.u32 $0x3E0, s9;
	[tilespmem:s3+$0x0] =	vst v4;
	v3 =	vsel vm0, v5, v3  }
0x6e: {  	s3 =	sand.u32 $0x60, s9;
	s7 =	sadd.s32 $0x1880, s11;
	s9 =	sadd.s32 $0x3100, s11;
	[tilespmem:s0+$0x0] =	vst v3  }
0x6f: {  	s13 =	sor.u32 $0x80000, s13;
	v3 =	vld [tilespmem:s31+$0xFFFFFFF0];
	s0 =	sor.u32 s3, s7;
	s11 =	sor.u32 s3, s9  }
0x70: {  	s3 =	smov.u32 s29;
	v4 =	vld [tilespmem:s0+$0x0];
	s0 =	smov.u32 s28  }
0x71: {  	v5 =	vld [tilespmem:s11+$0x0];
	_ =	sdelay $0x2  }
0x72: {  	v6 =	vmul.f32 $1.280000000e+02, v3  }
0x73: {  	v4 =	vmul.f32 $1.280000000e+02, v4  }
0x74: {  	v6 =	vtrunc.f32 v6;
	v5 =	vmul.f32 $1.280000000e+02, v5  }
0x75: {  	v6 =	vcvt.f32.s32 v6;
	v4 =	vtrunc.f32 v4  }
0x76: {  	v4 =	vcvt.f32.s32 v4;
	v5 =	vtrunc.f32 v5  }
0x77: {  	vm0 =	vgt.s32 v6, $0x0;
	v5 =	vcvt.f32.s32 v5  }
0x78: {  	v6 =	vnsel vm0, $0x0, v6;
	vm0 =	vgt.s32 v4, $0x0  }
0x79: {  	v6 =	vmin.u32 v6, $0x7F;
	v4 =	vnsel vm0, $0x0, v4;
	vm0 =	vgt.s32 v5, $0x0  }
0x7a: {  	v4 =	vmin.u32 v4, $0x7F;
	v5 =	vnsel vm0, $0x0, v5  }
0x7b: {  	v6 =	vshll.u32 v6, $0xE;
	v5 =	vmin.u32 v5, $0x7F;
	v4 =	vshll.u32 v4, $0x7  }
0x7c: {  	v4 =	vor.u32 v6, v4;
	v5 =	vor.u32 v0, v5  }
0x7d: {  	v4 =	vadd.s32 v4, v5  }
0x7e: {  	vm1 =	vge.f32 v3, $0.0e+00;
	vm0 =	vlt.u32 v4, $0x80000;
	v3 =	vand.u32 $0xFFF80000, v4  }
0x7f: {  	v5 =	vor.u32 s13, v2;
	vm0 =	vmand vm1, vm0;
	vm2 =	veq.s32 v3, $0x80000  }
0x80: {  	v3 =	vadd.s32 $0xFFF80000, v4;
	vm1 =	vmand vm1, vm2;
	v4 =	vsel vm0, v4, v5  }
0x81: {  	s11 =	sand.u32 $0x70, s30;
	[tilespmem:s29+$0xFFFFFFF0] =	vst v4;
	v3 =	vsel vm1, v3, v5  }
0x82: {  	s9 =	sor.u32 s11, s9;
	[tilespmem:s28+$0xFFFFFFF0] =	vst v3  }
0x83: {  	s7 =	sor.u32 s11, s7;
	v3 =	vld [tilespmem:s9+$0x0]  }
0x84: {  	v5 =	vld [tilespmem:s31+$0x0]  }
0x85: {  	v4 =	vld [tilespmem:s7+$0x0];
	_ =	sdelay $0x2  }
0x86: {  	v3 =	vmul.f32 $1.280000000e+02, v3  }
0x87: {  	v6 =	vmul.f32 $1.280000000e+02, v5  }
0x88: {  	v4 =	vmul.f32 $1.280000000e+02, v4;
	v3 =	vtrunc.f32 v3  }
0x89: {  	v6 =	vtrunc.f32 v6;
	v3 =	vcvt.f32.s32 v3  }
0x8a: {  	v6 =	vcvt.f32.s32 v6;
	v4 =	vtrunc.f32 v4  }
0x8b: {  	v4 =	vcvt.f32.s32 v4;
	vm0 =	vgt.s32 v3, $0x0  }
0x8c: {  	vm1 =	vgt.s32 v6, $0x0;
	v3 =	vnsel vm0, $0x0, v3  }
0x8d: {  	v6 =	vnsel vm1, $0x0, v6;
	vm0 =	vgt.s32 v4, $0x0;
	v3 =	vmin.u32 v3, $0x7F  }
0x8e: {  	v6 =	vmin.u32 v6, $0x7F;
	v4 =	vnsel vm0, $0x0, v4  }
0x8f: {  	v4 =	vmin.u32 v4, $0x7F;
	v6 =	vshll.u32 v6, $0xE  }
.Ltmp1:
0x90: {  	v3 =	vor.u32 v0, v3;
	v4 =	vshll.u32 v4, $0x7;
	(pc) =	sbr.rel @p0 .LBB2_4-.Ltmp1, $4  }
0x91: {  	s7 =	sand.u32 $0x3F0, s30;
	s30 =	smov.u32 s6;
	v4 =	vor.u32 v6, v4  }
0x92: {  	s6 =	sor.u32 $0x80000, s7;
	vm0 =	vge.f32 v5, $0.0e+00;
	v4 =	vadd.s32 v4, v3  }
0x93: {  	v3 =	vor.u32 s6, v2;
	vm1 =	vlt.u32 v4, $0x80000;
	v6 =	vand.u32 $0xFFF80000, v4  }
0x94: {  	s28 =	sadd.s32 $0x20, s28;
	s31 =	sadd.s32 $0x20, s31;
	s7 =	smov.u32 s5;
	v5 =	vadd.s32 $0xFFF80000, v4;
	vm1 =	vmand vm0, vm1;
	vm2 =	veq.s32 v6, $0x80000  }
0x95: {  	s5 =	sadd.s32 $0xFFFFFFF0, s30;
	vm0 =	vmand vm0, vm2;
	v4 =	vsel vm1, v4, v3  }
0x96: {  	s6 =	sand.u32 $0x1F80, s5;
	[tilespmem:s3+$0x0] =	vst v4;
	v3 =	vsel vm0, v5, v3  }
0x97: {  	s13 =	sand.u32 $0x60, s5;
	s7 =	sadd.s32 $0x1880, s6;
	[tilespmem:s0+$0x0] =	vst v3  }
0x98: {  	s0 =	sadd.s32 $0x3100, s6;
	v3 =	vld [tilespmem:s31+$0xFFFFFFF0];
	s9 =	sor.u32 s13, s7  }
0x99: {  	s3 =	sor.u32 s13, s0;
	v4 =	vld [tilespmem:s9+$0x0]  }
0x9a: {  	v57 =	vld [tilespmem:s3+$0x0];
	_ =	sdelay $0x2  }
0x9b: {  	v6 =	vmul.f32 $1.280000000e+02, v3  }
0x9c: {  	v4 =	vmul.f32 $1.280000000e+02, v4  }
0x9d: {  	v5 =	vmul.f32 $1.280000000e+02, v57;
	v6 =	vtrunc.f32 v6  }
0x9e: {  	v6 =	vcvt.f32.s32 v6;
	v4 =	vtrunc.f32 v4  }
0x9f: {  	v5 =	vtrunc.f32 v5;
	v4 =	vcvt.f32.s32 v4  }
0xa0: {  	v5 =	vcvt.f32.s32 v5  }
0xa1: {  	vm4 =	vgt.s32 v6, $0x0;
	vm5 =	vgt.s32 v4, $0x0  }
0xa2: {  	v6 =	vnsel vm4, $0x0, v6;
	vm6 =	vgt.s32 v5, $0x0;
	v4 =	vnsel vm5, $0x0, v4  }
0xa3: {  	v6 =	vmin.u32 v6, $0x7F;
	v5 =	vnsel vm6, $0x0, v5;
	v4 =	vmin.u32 v4, $0x7F  }
0xa4: {  	v5 =	vmin.u32 v5, $0x7F;
	v6 =	vshll.u32 v6, $0xE;
	v4 =	vshll.u32 v4, $0x7  }
0xa5: {  	v5 =	vor.u32 v0, v5;
	v4 =	vor.u32 v6, v4  }
0xa6: {  	s11 =	sand.u32 $0x3E0, s5;
	v4 =	vadd.s32 v4, v5  }
0xa7: {  	s3 =	sor.u32 $0x80000, s11;
	vm8 =	vge.f32 v3, $0.0e+00;
	vm7 =	vlt.u32 v4, $0x80000;
	v3 =	vand.u32 $0xFFF80000, v4  }
0xa8: {  	v58 =	vor.u32 s3, v2;
	vm0 =	vmand vm8, vm7;
	vm9 =	veq.s32 v3, $0x80000  }
0xa9: {  	s13 =	sadd.s32 $0x20, s29;
	v3 =	vadd.s32 $0xFFF80000, v4;
	vm1 =	vmand vm8, vm9;
	v4 =	vsel vm0, v4, v58  }
0xaa: {  	s29 =	sand.u32 $0x70, s30;
	[tilespmem:s13+$0xFFFFFFF0] =	vst v4;
	v3 =	vsel vm1, v3, v58  }
0xab: {  	s0 =	sor.u32 s29, s0;
	[tilespmem:s28+$0xFFFFFFF0] =	vst v3  }
0xac: {  	v3 =	vld [tilespmem:s0+$0x0]  }
0xad: {  	s5 =	sor.u32 s29, s7;
	v4 =	vld [tilespmem:s31+$0x0]  }
0xae: {  	v59 =	vld [tilespmem:s5+$0x0];
	_ =	sdelay $0x3  }
0xaf: {  	v3 =	vmul.f32 $1.280000000e+02, v3  }
0xb0: {  	v60 =	vmul.f32 $1.280000000e+02, v4;
	v5 =	vmul.f32 $1.280000000e+02, v59  }
0xb1: {  	v3 =	vtrunc.f32 v3  }
0xb2: {  	v6 =	vtrunc.f32 v60;
	v5 =	vtrunc.f32 v5  }
0xb3: {  	v6 =	vcvt.f32.s32 v6;
	v5 =	vcvt.f32.s32 v5  }
0xb4: {  	v3 =	vcvt.f32.s32 v3  }
0xb5: {  	vm10 =	vgt.s32 v6, $0x0;
	vm11 =	vgt.s32 v5, $0x0  }
0xb6: {  	vm12 =	vgt.s32 v3, $0x0;
	v6 =	vnsel vm10, $0x0, v6;
	v5 =	vnsel vm11, $0x0, v5  }
0xb7: {  	v3 =	vnsel vm12, $0x0, v3;
	v6 =	vmin.u32 v6, $0x7F;
	v5 =	vmin.u32 v5, $0x7F  }
0xb8: {  	v3 =	vmin.u32 v3, $0x7F;
	v6 =	vshll.u32 v6, $0xE;
	v5 =	vshll.u32 v5, $0x7  }
0xb9: {  	v3 =	vor.u32 v0, v3;
	v5 =	vor.u32 v6, v5  }
0xba: {  	s6 =	sand.u32 $0x3F0, s30;
	v3 =	vadd.s32 v5, v3  }
0xbb: {  	s0 =	sor.u32 $0x80000, s6;
	vm13 =	vge.f32 v4, $0.0e+00;
	vm14 =	vlt.u32 v3, $0x80000;
	v61 =	vand.u32 $0xFFF80000, v3  }
0xbc: {  	v62 =	vor.u32 s0, v2;
	vm1 =	vmand vm13, vm14;
	vm15 =	veq.s32 v61, $0x80000  }
0xbd: {  	v63 =	vadd.s32 $0xFFF80000, v3;
	vm0 =	vmand vm13, vm15;
	v3 =	vsel vm1, v3, v62  }
0xbe: {  	[tilespmem:s13+$0x0] =	vst v3;
	v3 =	vsel vm0, v63, v62  }
0xbf: {  	[tilespmem:s28+$0x0] =	vst v3  }
0xc0: {  	_ =	swait.ge [sflag:s19], $0x4000  }
0xc1: {  	[sflag:s19] =	ssyncset.done $0x0  }
0xc2: {  	[sflag:s19] =	ssyncadd.s32 $0xFFFFC000  }
0xc3: {  	_ =	swait.ge [sflag:s19], $0x4000  }
0xc4: {  	[sflag:s19] =	ssyncset.done $0x0  }
0xc5: {  	[sflag:s19] =	ssyncadd.s32 $0xFFFFC000  }
0xc6: {  	_ =	swait.ge [sflag:s19], $0x4000  }
0xc7: {  	[sflag:s19] =	ssyncset.done $0x0  }
0xc8: {  	[sflag:s19] =	ssyncadd.s32 $0xFFFFC000  }
0xc9: {  	_ =	swait.ge [sflag:s19], $0x4000  }
0xca: {  	[sflag:s19] =	ssyncset.done $0x0  }
0xcb: {  	[sflag:s19] =	ssyncadd.s32 $0xFFFFC000  }
0xcc: {  	[bflag:$0x0] =	sbarrier.arrive $0xFFFF  }
0xcd: {  	[tilespmem:s20], [sflag:$0x3] =	stream.linear.gather [hbm4b:s12+s4], $0x1880, $0x38;
	[tilespmem:$0x1EC00] =	vst v63  }
0xce: {  	_ =	swait.ge [sflag:s18], $0x1880  }
0xcf: {  	[sflag:s18] =	ssyncset.done $0x0  }
0xd0: {  	s7 =	rddreg [dreg:$0x9];
	[sflag:s18] =	ssyncadd.s32 $0xFFFFE780  }
0xd1: {  	[tilespmem:s21], [sflag:$0x3] =	stream.linear.gather [hbm4b:s7+s4], $0x1880, $0x38;
	[tilespmem:$0x1EC00] =	vst v63  }
0xd2: {  	_ = 	snop  }
0xd3: {  	[spmem:s1] =	stream.indirect.scatter.add.f32 [tilespmem:s20], [sflag:$0x4], $0x1, s22, s15, $0xb8;
	[tilespmem:$0x1EC00] =	vst v63  }
0xd4: {  	_ =	swait.ge [sflag:s23], $0x1880  }
0xd5: {  	[sflag:s23] =	ssyncset.done $0x0  }
0xd6: {  	s9 =	stileid.u32;
	[sflag:s23] =	ssyncadd.s32 $0xFFFFE780  }
0xd7: {  	s0 =	sshll.u32 s9, $0x6;
	[bflag:$0x0] =	sbarrier.arrive $0xFFFF  }
0xd8: {  	s30 =	sshrl.u32 s8, $0x3;
	s29 =	sor.u32 $0x1C01, s0;
	s11 =	rddreg [dreg:$0xa]  }
0xd9: {  	[hbm:s11], [sflag:s29] =	dma.local [spmem:s30], $0x1000  }
0xda: {  	[spmem:s2] =	stream.indirect.scatter.add.f32 [tilespmem:s20], [sflag:$0x4], $0x1, s24, s15, $0xb8;
	[tilespmem:$0x1EC00] =	vst v63  }
0xdb: {  	_ =	swait.ge [sflag:s23], $0x1880  }
0xdc: {  	[sflag:s23] =	ssyncset.done $0x0  }
0xdd: {  	[sflag:s23] =	ssyncadd.s32 $0xFFFFE780  }
0xde: {  	[bflag:$0x0] =	sbarrier.arrive $0xFFFF  }
0xdf: {  	s0 =	sor.u32 $0x1C02, s0;
	s28 =	sshrl.u32 s10, $0x3;
	s13 =	rddreg [dreg:$0xb]  }
0xe0: {  	[hbm:s13], [sflag:s0] =	dma.local [spmem:s28], $0x1000  }
0xe1: {  	_ =	swait.ge [sflag:s18], $0x1880  }
0xe2: {  	[sflag:s18] =	ssyncset.done $0x0  }
0xe3: {  	s31 =	rddreg [dreg:$0xc];
	[sflag:s18] =	ssyncadd.s32 $0xFFFFE780  }
0xe4: {  	[tilespmem:s20], [sflag:$0x3] =	stream.linear.gather [hbm4b:s31+s4], $0x1880, $0x38;
	[tilespmem:$0x1EC00] =	vst v63  }
0xe5: {  	_ =	swait.ge [sflag:s19], $0x1000  }
0xe6: {  	[sflag:s19] =	ssyncset.done $0x0  }
0xe7: {  	[sflag:s19] =	ssyncadd.s32 $0xFFFFF000  }
0xe8: {  	[bflag:$0x0] =	sbarrier.arrive $0xFFFF  }
0xe9: {  	[spmem:s1] =	stream.indirect.scatter.add.f32 [tilespmem:s21], [sflag:$0x4], $0x1, s22, s15, $0xb8;
	[tilespmem:$0x1EC00] =	vst v63  }
0xea: {  	_ =	swait.ge [sflag:s23], $0x1880  }
0xeb: {  	[sflag:s23] =	ssyncset.done $0x0  }
0xec: {  	[sflag:s23] =	ssyncadd.s32 $0xFFFFE780  }
0xed: {  	[bflag:$0x0] =	sbarrier.arrive $0xFFFF  }
0xee: {  	[hbm:s17], [sflag:s29] =	dma.local [spmem:s30], $0x1000  }
0xef: {  	_ =	swait.ge [sflag:s25], $0x1000  }
0xf0: {  	[sflag:s25] =	ssyncset.done $0x0  }
0xf1: {  	[sflag:s25] =	ssyncadd.s32 $0xFFFFF000  }
0xf2: {  	[bflag:$0x0] =	sbarrier.arrive $0xFFFF  }
0xf3: {  	[spmem:s2] =	stream.indirect.scatter.add.f32 [tilespmem:s21], [sflag:$0x4], $0x1, s24, s15, $0xb8;
	[tilespmem:$0x1EC00] =	vst v63  }
0xf4: {  	_ =	swait.ge [sflag:s23], $0x1880  }
0xf5: {  	[sflag:s23] =	ssyncset.done $0x0  }
0xf6: {  	[sflag:s23] =	ssyncadd.s32 $0xFFFFE780  }
0xf7: {  	[bflag:$0x0] =	sbarrier.arrive $0xFFFF  }
0xf8: {  	s5 =	rddreg [dreg:$0xd]  }
0xf9: {  	[hbm:s5], [sflag:s0] =	dma.local [spmem:s28], $0x1000  }
0xfa: {  	_ =	swait.ge [sflag:s18], $0x1880  }
0xfb: {  	[sflag:s18] =	ssyncset.done $0x0  }
0xfc: {  	s6 =	rddreg [dreg:$0xe];
	[sflag:s18] =	ssyncadd.s32 $0xFFFFE780  }
0xfd: {  	[tilespmem:s21], [sflag:$0x3] =	stream.linear.gather [hbm4b:s6+s4], $0x1880, $0x38;
	[tilespmem:$0x1EC00] =	vst v63  }
0xfe: {  	_ =	swait.ge [sflag:s19], $0x1000  }
0xff: {  	[sflag:s19] =	ssyncset.done $0x0  }
0x100: {  	[sflag:s19] =	ssyncadd.s32 $0xFFFFF000  }
0x101: {  	[bflag:$0x0] =	sbarrier.arrive $0xFFFF  }
0x102: {  	[spmem:s1] =	stream.indirect.scatter.add.f32 [tilespmem:s20], [sflag:$0x4], $0x1, s22, s15, $0xb8;
	[tilespmem:$0x1EC00] =	vst v63  }
0x103: {  	_ =	swait.ge [sflag:s23], $0x1880  }
0x104: {  	[sflag:s23] =	ssyncset.done $0x0  }
0x105: {  	[sflag:s23] =	ssyncadd.s32 $0xFFFFE780  }
0x106: {  	[bflag:$0x0] =	sbarrier.arrive $0xFFFF  }
0x107: {  	s7 =	rddreg [dreg:$0xf]  }
0x108: {  	[hbm:s7], [sflag:s29] =	dma.local [spmem:s30], $0x1000  }
0x109: {  	_ =	swait.ge [sflag:s25], $0x1000  }
0x10a: {  	[sflag:s25] =	ssyncset.done $0x0  }
0x10b: {  	[sflag:s25] =	ssyncadd.s32 $0xFFFFF000  }
0x10c: {  	[bflag:$0x0] =	sbarrier.arrive $0xFFFF  }
0x10d: {  	[spmem:s2] =	stream.indirect.scatter.add.f32 [tilespmem:s20], [sflag:$0x4], $0x1, s24, s15, $0xb8;
	[tilespmem:$0x1EC00] =	vst v63  }
0x10e: {  	_ =	swait.ge [sflag:s23], $0x1880  }
0x10f: {  	[sflag:s23] =	ssyncset.done $0x0  }
0x110: {  	[sflag:s23] =	ssyncadd.s32 $0xFFFFE780  }
0x111: {  	[bflag:$0x0] =	sbarrier.arrive $0xFFFF  }
0x112: {  	s9 =	rddreg [dreg:$0x10]  }
0x113: {  	[hbm:s9], [sflag:s0] =	dma.local [spmem:s28], $0x1000  }
0x114: {  	_ =	swait.ge [sflag:s18], $0x1880  }
0x115: {  	[sflag:s18] =	ssyncset.done $0x0  }
0x116: {  	s11 =	rddreg [dreg:$0x11];
	[sflag:s18] =	ssyncadd.s32 $0xFFFFE780  }
0x117: {  	[tilespmem:s20], [sflag:$0x3] =	stream.linear.gather [hbm4b:s11+s4], $0x1880, $0x38;
	[tilespmem:$0x1EC00] =	vst v63  }
0x118: {  	_ =	swait.ge [sflag:s19], $0x1000  }
0x119: {  	[sflag:s19] =	ssyncset.done $0x0  }
0x11a: {  	[sflag:s19] =	ssyncadd.s32 $0xFFFFF000  }
0x11b: {  	[bflag:$0x0] =	sbarrier.arrive $0xFFFF  }
0x11c: {  	[spmem:s1] =	stream.indirect.scatter.add.f32 [tilespmem:s21], [sflag:$0x4], $0x1, s22, s15, $0xb8;
	[tilespmem:$0x1EC00] =	vst v63  }
0x11d: {  	_ =	swait.ge [sflag:s23], $0x1880  }
0x11e: {  	[sflag:s23] =	ssyncset.done $0x0  }
0x11f: {  	[sflag:s23] =	ssyncadd.s32 $0xFFFFE780  }
0x120: {  	[bflag:$0x0] =	sbarrier.arrive $0xFFFF  }
0x121: {  	s13 =	rddreg [dreg:$0x12]  }
0x122: {  	[hbm:s13], [sflag:s29] =	dma.local [spmem:s30], $0x1000  }
0x123: {  	_ =	swait.ge [sflag:s25], $0x1000  }
0x124: {  	[sflag:s25] =	ssyncset.done $0x0  }
0x125: {  	[sflag:s25] =	ssyncadd.s32 $0xFFFFF000  }
0x126: {  	[bflag:$0x0] =	sbarrier.arrive $0xFFFF  }
0x127: {  	[spmem:s2] =	stream.indirect.scatter.add.f32 [tilespmem:s21], [sflag:$0x4], $0x1, s24, s15, $0xb8;
	[tilespmem:$0x1EC00] =	vst v63  }
0x128: {  	_ =	swait.ge [sflag:s23], $0x1880  }
0x129: {  	[sflag:s23] =	ssyncset.done $0x0  }
0x12a: {  	[sflag:s23] =	ssyncadd.s32 $0xFFFFE780  }
0x12b: {  	[bflag:$0x0] =	sbarrier.arrive $0xFFFF  }
0x12c: {  	s31 =	rddreg [dreg:$0x14]  }
0x12d: {  	[hbm:s31], [sflag:s0] =	dma.local [spmem:s28], $0x1000  }
0x12e: {  	_ =	swait.ge [sflag:s18], $0x1880  }
0x12f: {  	[sflag:s18] =	ssyncset.done $0x0  }
0x130: {  	s5 =	rddreg [dreg:$0x15];
	[sflag:s18] =	ssyncadd.s32 $0xFFFFE780  }
0x131: {  	[tilespmem:s21], [sflag:$0x3] =	stream.linear.gather [hbm4b:s5+s4], $0x1880, $0x38;
	[tilespmem:$0x1EC00] =	vst v63  }
0x132: {  	_ =	swait.ge [sflag:s19], $0x1000  }
0x133: {  	[sflag:s19] =	ssyncset.done $0x0  }
0x134: {  	[sflag:s19] =	ssyncadd.s32 $0xFFFFF000  }
0x135: {  	[bflag:$0x0] =	sbarrier.arrive $0xFFFF  }
0x136: {  	[spmem:s1] =	stream.indirect.scatter.add.f32 [tilespmem:s20], [sflag:$0x4], $0x1, s22, s15, $0xb8;
	[tilespmem:$0x1EC00] =	vst v63  }
0x137: {  	_ =	swait.ge [sflag:s23], $0x1880  }
0x138: {  	[sflag:s23] =	ssyncset.done $0x0  }
0x139: {  	[sflag:s23] =	ssyncadd.s32 $0xFFFFE780  }
0x13a: {  	[bflag:$0x0] =	sbarrier.arrive $0xFFFF  }
0x13b: {  	s6 =	rddreg [dreg:$0x16]  }
0x13c: {  	[hbm:s6], [sflag:s29] =	dma.local [spmem:s30], $0x1000  }
0x13d: {  	_ =	swait.ge [sflag:s25], $0x1000  }
0x13e: {  	[sflag:s25] =	ssyncset.done $0x0  }
0x13f: {  	[sflag:s25] =	ssyncadd.s32 $0xFFFFF000  }
0x140: {  	[bflag:$0x0] =	sbarrier.arrive $0xFFFF  }
0x141: {  	[spmem:s2] =	stream.indirect.scatter.add.f32 [tilespmem:s20], [sflag:$0x4], $0x1, s24, s15, $0xb8;
	[tilespmem:$0x1EC00] =	vst v63  }
0x142: {  	_ =	swait.ge [sflag:s23], $0x1880  }
0x143: {  	[sflag:s23] =	ssyncset.done $0x0  }
0x144: {  	[sflag:s23] =	ssyncadd.s32 $0xFFFFE780  }
0x145: {  	[bflag:$0x0] =	sbarrier.arrive $0xFFFF  }
0x146: {  	s7 =	rddreg [dreg:$0x17]  }
0x147: {  	[hbm:s7], [sflag:s0] =	dma.local [spmem:s28], $0x1000  }
0x148: {  	_ =	swait.ge [sflag:s18], $0x1880  }
0x149: {  	[sflag:s18] =	ssyncset.done $0x0  }
0x14a: {  	s9 =	rddreg [dreg:$0x18];
	[sflag:s18] =	ssyncadd.s32 $0xFFFFE780  }
0x14b: {  	[tilespmem:s20], [sflag:$0x3] =	stream.linear.gather [hbm4b:s9+s4], $0x1880, $0x38;
	[tilespmem:$0x1EC00] =	vst v63  }
0x14c: {  	_ =	swait.ge [sflag:s19], $0x1000  }
0x14d: {  	[sflag:s19] =	ssyncset.done $0x0  }
0x14e: {  	[sflag:s19] =	ssyncadd.s32 $0xFFFFF000  }
0x14f: {  	[bflag:$0x0] =	sbarrier.arrive $0xFFFF  }
0x150: {  	[spmem:s1] =	stream.indirect.scatter.add.f32 [tilespmem:s21], [sflag:$0x4], $0x1, s22, s15, $0xb8;
	[tilespmem:$0x1EC00] =	vst v63  }
0x151: {  	_ =	swait.ge [sflag:s23], $0x1880  }
0x152: {  	[sflag:s23] =	ssyncset.done $0x0  }
0x153: {  	[sflag:s23] =	ssyncadd.s32 $0xFFFFE780  }
0x154: {  	[bflag:$0x0] =	sbarrier.arrive $0xFFFF  }
0x155: {  	s11 =	rddreg [dreg:$0x19]  }
0x156: {  	[hbm:s11], [sflag:s29] =	dma.local [spmem:s30], $0x1000  }
0x157: {  	_ =	swait.ge [sflag:s25], $0x1000  }
0x158: {  	[sflag:s25] =	ssyncset.done $0x0  }
0x159: {  	[sflag:s25] =	ssyncadd.s32 $0xFFFFF000  }
0x15a: {  	[bflag:$0x0] =	sbarrier.arrive $0xFFFF  }
0x15b: {  	[spmem:s2] =	stream.indirect.scatter.add.f32 [tilespmem:s21], [sflag:$0x4], $0x1, s24, s15, $0xb8;
	[tilespmem:$0x1EC00] =	vst v63  }
0x15c: {  	_ =	swait.ge [sflag:s23], $0x1880  }
0x15d: {  	[sflag:s23] =	ssyncset.done $0x0  }
0x15e: {  	[sflag:s23] =	ssyncadd.s32 $0xFFFFE780  }
0x15f: {  	[bflag:$0x0] =	sbarrier.arrive $0xFFFF  }
0x160: {  	s13 =	rddreg [dreg:$0x1a]  }
0x161: {  	[hbm:s13], [sflag:s0] =	dma.local [spmem:s28], $0x1000  }
0x162: {  	_ =	swait.ge [sflag:s18], $0x1880  }
0x163: {  	[sflag:s18] =	ssyncset.done $0x0  }
0x164: {  	s31 =	rddreg [dreg:$0x1b];
	[sflag:s18] =	ssyncadd.s32 $0xFFFFE780  }
0x165: {  	[tilespmem:s21], [sflag:$0x3] =	stream.linear.gather [hbm4b:s31+s4], $0x1880, $0x38;
	[tilespmem:$0x1EC00] =	vst v63  }
0x166: {  	_ =	swait.ge [sflag:s19], $0x1000  }
0x167: {  	[sflag:s19] =	ssyncset.done $0x0  }
0x168: {  	[sflag:s19] =	ssyncadd.s32 $0xFFFFF000  }
0x169: {  	[bflag:$0x0] =	sbarrier.arrive $0xFFFF  }
0x16a: {  	[spmem:s1] =	stream.indirect.scatter.add.f32 [tilespmem:s20], [sflag:$0x4], $0x1, s22, s15, $0xb8;
	[tilespmem:$0x1EC00] =	vst v63  }
0x16b: {  	_ =	swait.ge [sflag:s23], $0x1880  }
0x16c: {  	[sflag:s23] =	ssyncset.done $0x0  }
0x16d: {  	[sflag:s23] =	ssyncadd.s32 $0xFFFFE780  }
0x16e: {  	[bflag:$0x0] =	sbarrier.arrive $0xFFFF  }
0x16f: {  	s5 =	rddreg [dreg:$0x1c]  }
0x170: {  	[hbm:s5], [sflag:s29] =	dma.local [spmem:s30], $0x1000  }
0x171: {  	_ =	swait.ge [sflag:s25], $0x1000  }
0x172: {  	[sflag:s25] =	ssyncset.done $0x0  }
0x173: {  	[sflag:s25] =	ssyncadd.s32 $0xFFFFF000  }
0x174: {  	[bflag:$0x0] =	sbarrier.arrive $0xFFFF  }
0x175: {  	[spmem:s2] =	stream.indirect.scatter.add.f32 [tilespmem:s20], [sflag:$0x4], $0x1, s24, s15, $0xb8;
	[tilespmem:$0x1EC00] =	vst v63  }
0x176: {  	_ =	swait.ge [sflag:s23], $0x1880  }
0x177: {  	[sflag:s23] =	ssyncset.done $0x0  }
0x178: {  	[sflag:s23] =	ssyncadd.s32 $0xFFFFE780  }
0x179: {  	[bflag:$0x0] =	sbarrier.arrive $0xFFFF  }
0x17a: {  	s6 =	rddreg [dreg:$0x1d]  }
0x17b: {  	[hbm:s6], [sflag:s0] =	dma.local [spmem:s28], $0x1000  }
0x17c: {  	_ =	swait.ge [sflag:s18], $0x1880  }
0x17d: {  	[sflag:s18] =	ssyncset.done $0x0  }
0x17e: {  	s7 =	rddreg [dreg:$0x1e];
	[sflag:s18] =	ssyncadd.s32 $0xFFFFE780  }
0x17f: {  	[tilespmem:s20], [sflag:$0x3] =	stream.linear.gather [hbm4b:s7+s4], $0x1880, $0x38;
	[tilespmem:$0x1EC00] =	vst v63  }
0x180: {  	_ =	swait.ge [sflag:s19], $0x1000  }
0x181: {  	[sflag:s19] =	ssyncset.done $0x0  }
0x182: {  	[sflag:s19] =	ssyncadd.s32 $0xFFFFF000  }
0x183: {  	[bflag:$0x0] =	sbarrier.arrive $0xFFFF  }
0x184: {  	[spmem:s1] =	stream.indirect.scatter.add.f32 [tilespmem:s21], [sflag:$0x4], $0x1, s22, s15, $0xb8;
	[tilespmem:$0x1EC00] =	vst v63  }
0x185: {  	_ =	swait.ge [sflag:s23], $0x1880  }
0x186: {  	[sflag:s23] =	ssyncset.done $0x0  }
0x187: {  	[sflag:s23] =	ssyncadd.s32 $0xFFFFE780  }
0x188: {  	[bflag:$0x0] =	sbarrier.arrive $0xFFFF  }
0x189: {  	s9 =	rddreg [dreg:$0x1f]  }
0x18a: {  	[hbm:s9], [sflag:s29] =	dma.local [spmem:s30], $0x1000  }
0x18b: {  	_ =	swait.ge [sflag:s25], $0x1000  }
0x18c: {  	[sflag:s25] =	ssyncset.done $0x0  }
0x18d: {  	[sflag:s25] =	ssyncadd.s32 $0xFFFFF000  }
0x18e: {  	[bflag:$0x0] =	sbarrier.arrive $0xFFFF  }
0x18f: {  	[spmem:s2] =	stream.indirect.scatter.add.f32 [tilespmem:s21], [sflag:$0x4], $0x1, s24, s15, $0xb8;
	[tilespmem:$0x1EC00] =	vst v63  }
0x190: {  	_ =	swait.ge [sflag:s23], $0x1880  }
0x191: {  	[sflag:s23] =	ssyncset.done $0x0  }
0x192: {  	[sflag:s23] =	ssyncadd.s32 $0xFFFFE780  }
0x193: {  	[bflag:$0x0] =	sbarrier.arrive $0xFFFF  }
0x194: {  	s11 =	sld [smem:$0x7FC];
	_ =	sdelay $0x2  }
0x195: {  	[hbm:s11], [sflag:s0] =	dma.local [spmem:s28], $0x1000  }
0x196: {  	_ =	swait.ge [sflag:s18], $0x1880  }
0x197: {  	[sflag:s18] =	ssyncset.done $0x0  }
0x198: {  	[sflag:s18] =	ssyncadd.s32 $0xFFFFE780  }
0x199: {  	_ =	swait.ge [sflag:s19], $0x1000  }
0x19a: {  	[sflag:s19] =	ssyncset.done $0x0  }
0x19b: {  	[sflag:s19] =	ssyncadd.s32 $0xFFFFF000  }
0x19c: {  	[bflag:$0x0] =	sbarrier.arrive $0xFFFF  }
0x19d: {  	[spmem:s1] =	stream.indirect.scatter.add.f32 [tilespmem:s20], [sflag:$0x4], $0x1, s22, s15, $0xb8;
	[tilespmem:$0x1EC00] =	vst v63  }
0x19e: {  	_ =	swait.ge [sflag:s23], $0x1880  }
0x19f: {  	[sflag:s23] =	ssyncset.done $0x0  }
0x1a0: {  	[sflag:s23] =	ssyncadd.s32 $0xFFFFE780  }
0x1a1: {  	[bflag:$0x0] =	sbarrier.arrive $0xFFFF  }
0x1a2: {  	s13 =	sld [smem:$0x7FD];
	_ =	sdelay $0x2  }
0x1a3: {  	[hbm:s13], [sflag:s29] =	dma.local [spmem:s30], $0x1000  }
0x1a4: {  	_ =	swait.ge [sflag:s25], $0x1000  }
0x1a5: {  	[sflag:s25] =	ssyncset.done $0x0  }
0x1a6: {  	[sflag:s25] =	ssyncadd.s32 $0xFFFFF000  }
0x1a7: {  	[bflag:$0x0] =	sbarrier.arrive $0xFFFF  }
0x1a8: {  	[spmem:s2] =	stream.indirect.scatter.add.f32 [tilespmem:s20], [sflag:$0x4], $0x1, s24, s15, $0xb8;
	[tilespmem:$0x1EC00] =	vst v63  }
0x1a9: {  	_ =	swait.ge [sflag:s23], $0x1880  }
0x1aa: {  	[sflag:s23] =	ssyncset.done $0x0  }
0x1ab: {  	[sflag:s23] =	ssyncadd.s32 $0xFFFFE780  }
0x1ac: {  	[bflag:$0x0] =	sbarrier.arrive $0xFFFF  }
0x1ad: {  	[hbm:s14], [sflag:s0] =	dma.local [spmem:s28], $0x1000  }
0x1ae: {  	_ =	swait.ge [sflag:s19], $0x1000  }
0x1af: {  	[sflag:s19] =	ssyncset.done $0x0  }
0x1b0: {  	[sflag:s19] =	ssyncadd.s32 $0xFFFFF000  }
0x1b1: {  	_ =	swait.ge [sflag:s25], $0x1000  }
0x1b2: {  	s26 =	sadd.s32 $0x1, s26;
	s31 =	rddreg [dreg:$0x13]  }
0x1b3: {  	p0 =	sne.s32 s26, s31  }
.Ltmp2:
0x1b4: {  	_ = 	snop;
	(pc) =	sbr.rel @p0 .LBB2_1-.Ltmp2, $3  }
0x1b5: {  	_ =	sdelay $0x1  }
0x1b6: {  	[sflag:s25] =	ssyncset.done $0x0  }
0x1b7: {  	[sflag:s25] =	ssyncadd.s32 $0xFFFFF000  }
0x1b8: {  	_ =	sfence.sel $0x180000  }
0x1b9: {  	[bflag:$0x0] =	sbarrier.arrive $0xFFFF  }
0x1ba: {  	_ =	strace $0x90000047  }
0x1bb: {  	s0 =	stileid.u32;
	[bflag:$0x2] =	sbarrier.arrive $0xFFFF  }
0x1bc: {  	p0 =	sne.s32 s0, $0x0;
	s0 =	rddreg [dreg:$0x3]  }
0x1bd: {  	s0 =	sadd.s32 @!p0 $0x100000, s0  }
0x1be: {  	[sflag:s0] =	ssyncadd.tile.s32 @!p0 $0x1;
	_ =	shalt  }
.Lfunc_end2:
_tile_overlayer_lowered:
.L_overlay_start_2:
0x1bf: {  	(tag) =	ssettag $0x2  }
0x1c0: {  	s0 =	rddreg [dreg:$0x0];
	s2 =	stileid.u32  }
0x1c1: {  	s1 =	rddreg [dreg:$0x1];
	p0 =	sne.s32 s2, $0x0  }
0x1c2: {  	s3 =	rddreg [dreg:$0x2];
	[bflag:$0x3] =	sbarrier.arrive $0xFFFF;
	s2 =	simm.s32 @!p0 $0x1C04  }
0x1c3: {  	[timem:s3], [sflag:s2] =	dma.local @!p0 [hbm:s0], s1  }
0x1c4: {  	s0 =	simm.s32 @!p0 $0x4  }
0x1c5: {  	_ =	swait.ge @!p0 [sflag:s0], s1  }
0x1c6: {  	s1 =	ssub.s32 @!p0 $0x0, s1;
	[sflag:s0] =	ssyncset.done @!p0 $0x0  }
0x1c7: {  	[sflag:s0] =	ssyncadd.s32 @!p0 s1  }
0x1c8: {  	[bflag:$0x3] =	sbarrier.arrive $0xFFFF  }
0x1c9: {  	_ =	shalt  }

</sc_bundles>
